<compile_context>
chip_gen: v7x
topology: tpu7x:2x2x1
jax: 0.10.2.dev20260603
libtpu: 0.0.44.dev20260713+nightly
codegen_flags: <defaults>
</compile_context>

<pallas_src>
import functools

import jax
import jax.numpy as jnp
from jax import lax
from jax.experimental import pallas as pl
from jax.experimental.pallas import tpu as pltpu
from jax.experimental.pallas import tpu_sc as plsc

_NB = 16
_BS = 64
_HID = 128
_NACT = 16
_FEAT = 3
_ROWS_PER_TILE = 8
_NTILES = _BS // _ROWS_PER_TILE


def _dot_t(a, b):
    return lax.dot_general(a, b, (((1,), (1,)), ((), ())),
                           preferred_element_type=jnp.float32)


def _dense_kernel(x_ref, we_ref, be_ref, wg_ref, bg_ref, w1_ref, b1_ref,
                  w2_ref, b2_ref, out_ref):
    row = jax.lax.broadcasted_iota(jnp.int32, (_NB * _FEAT, _FEAT), 0)
    col = jax.lax.broadcasted_iota(jnp.int32, (_NB * _FEAT, _FEAT), 1)
    t = jnp.where(row % _FEAT == col, 1.0, 0.0)
    us = jnp.dot(x_ref[...], t, preferred_element_type=jnp.float32)
    xm = _dot_t(us, we_ref[...]) * (1.0 / _NB) + be_ref[...]
    g = _dot_t(xm, wg_ref[...]) + bg_ref[...]
    h = _dot_t(g, w1_ref[...]) + b1_ref[...]
    h = jnp.where(h >= 0, h, 0.01 * h)
    out_ref[...] = _dot_t(h, w2_ref[...]) + b2_ref[...]


_BLK = _ROWS_PER_TILE * _NACT
_ACT_OFF = _BS * _NACT


@functools.partial(
    pl.kernel,
    out_type=jax.ShapeDtypeStruct((_BS,), jnp.float32),
    mesh=plsc.VectorSubcoreMesh(core_axis_name="c", subcore_axis_name="s"),
    scratch_types=[
        pltpu.VMEM((_BLK,), jnp.float32),
        pltpu.VMEM((_BLK,), jnp.float32),
        pltpu.VMEM((_NACT,), jnp.float32),
        pltpu.SemaphoreType.DMA,
    ],
)
def _sc_select(inps_hbm, q_hbm, out_hbm, act_v, q_v, out_v, sem):
    wid = lax.axis_index("s") * 2 + lax.axis_index("c")

    @pl.when(wid < _NTILES)
    def _():
        copies = [
            pltpu.async_copy(
                inps_hbm.at[pl.ds(_ACT_OFF + wid * _BLK, _BLK)], act_v, sem),
            pltpu.async_copy(q_hbm.at[pl.ds(wid * _BLK, _BLK)], q_v, sem),
        ]
        for c in copies:
            c.wait()
        iota = lax.iota(jnp.int32, _NACT)

        def splat_reduce(v, op):
            for s in (8, 4, 2, 1):
                perm = jnp.bitwise_xor(iota, s)
                v = op(v, v.at[perm].get(mode="promise_in_bounds"))
            return v

        acc = jnp.zeros((_NACT,), jnp.float32)
        for r in range(_ROWS_PER_TILE):
            av = act_v[pl.ds(r * _NACT, _NACT)]
            m_sp = splat_reduce(av, jnp.maximum)
            idx_sp = splat_reduce(jnp.where(av == m_sp, iota, _NACT),
                                  jnp.minimum)
            q_sp = q_v[pl.ds(r * _NACT, _NACT)].at[idx_sp].get(
                mode="promise_in_bounds")
            acc = jnp.where(iota == r, q_sp, acc)
        out_v[...] = acc
        pltpu.sync_copy(out_v.at[pl.ds(0, _ROWS_PER_TILE)],
                        out_hbm.at[pl.ds(wid * _ROWS_PER_TILE,
                                         _ROWS_PER_TILE)])


def kernel(inps, unary_tensor, W_emb, b_emb, W_gcn, b_gcn, W1, b1, W2, b2):
    x = unary_tensor.reshape(_BS, _NB * _FEAT)
    all_q = pl.pallas_call(
        _dense_kernel,
        out_shape=jax.ShapeDtypeStruct((_BS, _NACT), jnp.float32),
    )(x, W_emb, b_emb.reshape(1, _HID), W_gcn, b_gcn.reshape(1, _HID),
      W1, b1.reshape(1, _HID), W2, b2.reshape(1, _NACT))
    return _sc_select(inps.reshape(-1), all_q.reshape(-1)).reshape(_BS, 1)

# --- scband reference (transcript-rebuilt; emitter-appended) ---
"""Pipeline reference for scband-test-critic2-7980049236587 (READ-ONLY COPY).

The authoritative reference and input builder live on the scoring server;
editing this copy changes nothing except your own understanding.
"""

import jax, jax.numpy as jnp
import numpy as np

NB = 16      # nb_objects (hard-coded in forward)
BS = 64      # batch_size (hard-coded in forward)
HID = 128    # hidden_dim
NACT = 16    # n_actions[0]
FEAT = 3     # one-hot feature dim (hard-coded)


def _build_edge_index():
    adj = np.ones((NB, NB), dtype=np.int64) - np.eye(NB, dtype=np.int64)
    r, c = np.nonzero(adj)
    base = np.stack([r, c])  # [2, 240]
    offs = np.arange(BS, dtype=np.int64) * NB
    ei = (base[:, None, :] + offs[None, :, None]).reshape(2, -1)  # [2, BS*240]
    return ei


def setup_inputs(seed: int = 0) -> dict:
    key = jax.random.key(seed)
    ks = jax.random.split(key, 10)
    inps = jax.random.uniform(ks[0], (1, 2, BS, NACT), dtype=jnp.float32)
    unary_tensor = jax.random.uniform(ks[1], (BS, NB, FEAT), dtype=jnp.float32)
    se = 1.0 / np.sqrt(FEAT)
    sg = 1.0 / np.sqrt(HID)
    W_emb = jax.random.uniform(ks[2], (HID, FEAT), minval=-se, maxval=se, dtype=jnp.float32)
    b_emb = jax.random.uniform(ks[3], (HID,), minval=-se, maxval=se, dtype=jnp.float32)
    W_gcn = jax.random.uniform(ks[4], (HID, HID), minval=-sg, maxval=sg, dtype=jnp.float32)
    b_gcn = jnp.zeros((HID,), dtype=jnp.float32)
    W1 = jax.random.uniform(ks[5], (HID, HID), minval=-sg, maxval=sg, dtype=jnp.float32)
    b1 = jax.random.uniform(ks[6], (HID,), minval=-sg, maxval=sg, dtype=jnp.float32)
    W2 = jax.random.uniform(ks[7], (NACT, HID), minval=-sg, maxval=sg, dtype=jnp.float32)
    b2 = jax.random.uniform(ks[8], (NACT,), minval=-sg, maxval=sg, dtype=jnp.float32)
    return {"inps": inps, "unary_tensor": unary_tensor, "W_emb": W_emb, "b_emb": b_emb,
            "W_gcn": W_gcn, "b_gcn": b_gcn, "W1": W1, "b1": b1, "W2": W2, "b2": b2}


def reference(inps, unary_tensor, W_emb, b_emb, W_gcn, b_gcn, W1, b1, W2, b2):
    # inps[agent][0]=states (unused downstream except assert), inps[agent][1]=actions
    actions = inps[0, 1]  # [BS, NACT]
    N = BS * NB
    # embedder: Linear(3, hidden)
    x = unary_tensor.reshape(N, FEAT) @ W_emb.T + b_emb  # [N, HID]
    # batched fully-connected edge_index (PyG Batch.from_data_list semantics)
    ei = jnp.asarray(_build_edge_index())
    loop = jnp.arange(N, dtype=ei.dtype)
    src = jnp.concatenate([ei[0], loop])  # GCNConv adds self-loops
    dst = jnp.concatenate([ei[1], loop])
    # symmetric normalization D^{-1/2} (A+I) D^{-1/2}
    deg = jnp.zeros((N,), dtype=jnp.float32).at[dst].add(1.0)
    dis = 1.0 / jnp.sqrt(deg)
    norm = dis[src] * dis[dst]
    h = x @ W_gcn.T  # lin (no bias) applied before propagation
    msgs = h[src] * norm[:, None]
    out = jnp.zeros((N, HID), dtype=jnp.float32).at[dst].add(msgs) + b_gcn
    # split into per-graph chunks and max-reduce over objects
    xg = out.reshape(BS, NB, HID).max(axis=1)  # [BS, HID]
    # critic head: Linear -> LeakyReLU(0.01) -> Linear
    hq = xg @ W1.T + b1
    hq = jnp.where(hq >= 0, hq, 0.01 * hq)
    all_q = hq @ W2.T + b2  # [BS, NACT]
    int_acs = jnp.argmax(actions, axis=1)  # actions.max(dim=1)[1]
    q = jnp.take_along_axis(all_q, int_acs[:, None], axis=1)  # [BS, 1]
    return q

if __name__ == "__main__":
    import jax
    _d = setup_inputs()
    print(jax.jit(kernel)(*tuple(_d.values())))

</pallas_src>

<mosaic_0001>
#map = affine_map<(d0, d1) -> (0)>
module attributes {stable_mosaic.version = 14 : i64} {
  func.func @_sc_select(%arg0: i32, %arg1: i32, %arg2: memref<2048xf32, #tpu.memory_space<hbm>>, %arg3: memref<1024xf32, #tpu.memory_space<hbm>>, %arg4: memref<64xf32, #tpu.memory_space<hbm>>, %arg5: memref<128xf32, #tpu.memory_space<vmem>>, %arg6: memref<128xf32, #tpu.memory_space<vmem>>, %arg7: memref<16xf32, #tpu.memory_space<vmem>>, %arg8: memref<!tpu.dma_semaphore, #tpu.memory_space<semaphore_mem>>) attributes {dimension_semantics = [#tpu.dimension_semantics<core_parallel>, #tpu.dimension_semantics<subcore_parallel>], iteration_bounds = array<i64: 2, 16>, scalar_prefetch = 0 : i64, scratch_operands = 4 : i64, tpu.core_type = #tpu.core_type<sc_vector_subcore>, window_params = [{transform_indices = #map}, {transform_indices = #map}, {transform_indices = #map}]} {
    %mul3A = arith.constant 2 : i32
    %mul3A_0 = arith.muli %arg1, %mul3A : i32
    %add3A = arith.addi %mul3A_0, %arg0 : i32
    %lt3A = arith.constant 8 : i32
    %lt3A_1 = arith.cmpi slt, %add3A, %lt3A : i32
    %convert_element_type3A = arith.extui %lt3A_1 : i1 to i32
    %cond3A = arith.constant 0 : i32
    %cond3A_2 = arith.cmpi ne, %convert_element_type3A, %cond3A : i32
    scf.if %cond3A_2 {
      %mul3A_3 = arith.constant 128 : i32
      %mul3A_4 = arith.muli %add3A, %mul3A_3 : i32
      %add3A_5 = arith.constant 1024 : i32
      %add3A_6 = arith.addi %add3A_5, %mul3A_4 : i32
      %dma_start3A = tpu.memref_slice %arg2[%add3A_6] : memref<2048xf32, #tpu.memory_space<hbm>> -> memref<128xf32, #tpu.memory_space<hbm>>
      %dma_start3A_7 = tpu.memref_slice %arg2[%add3A_6] : memref<2048xf32, #tpu.memory_space<hbm>> -> memref<128xf32, #tpu.memory_space<hbm>>
      tpu.enqueue_dma source(%dma_start3A_7 : memref<128xf32, #tpu.memory_space<hbm>>) target(%arg5 : memref<128xf32, #tpu.memory_space<vmem>>) target_semaphore(%arg8 : memref<!tpu.dma_semaphore, #tpu.memory_space<semaphore_mem>>)
      %mul3A_8 = arith.constant 128 : i32
      %mul3A_9 = arith.muli %add3A, %mul3A_8 : i32
      %dma_start3A_10 = tpu.memref_slice %arg3[%mul3A_9] : memref<1024xf32, #tpu.memory_space<hbm>> -> memref<128xf32, #tpu.memory_space<hbm>>
      %dma_start3A_11 = tpu.memref_slice %arg3[%mul3A_9] : memref<1024xf32, #tpu.memory_space<hbm>> -> memref<128xf32, #tpu.memory_space<hbm>>
      tpu.enqueue_dma source(%dma_start3A_11 : memref<128xf32, #tpu.memory_space<hbm>>) target(%arg6 : memref<128xf32, #tpu.memory_space<vmem>>) target_semaphore(%arg8 : memref<!tpu.dma_semaphore, #tpu.memory_space<semaphore_mem>>)
      %dma_wait3A = tpu.memref_slice %arg2[%add3A_6] : memref<2048xf32, #tpu.memory_space<hbm>> -> memref<128xf32, #tpu.memory_space<hbm>>
      %dma_wait3A_12 = tpu.memref_slice %arg2[%add3A_6] : memref<2048xf32, #tpu.memory_space<hbm>> -> memref<128xf32, #tpu.memory_space<hbm>>
      tpu.wait_dma2 semaphore(%arg8 : memref<!tpu.dma_semaphore, #tpu.memory_space<semaphore_mem>>) src(%dma_wait3A_12 : memref<128xf32, #tpu.memory_space<hbm>>) dst(%arg5 : memref<128xf32, #tpu.memory_space<vmem>>)
      %dma_wait3A_13 = tpu.memref_slice %arg3[%mul3A_9] : memref<1024xf32, #tpu.memory_space<hbm>> -> memref<128xf32, #tpu.memory_space<hbm>>
      %dma_wait3A_14 = tpu.memref_slice %arg3[%mul3A_9] : memref<1024xf32, #tpu.memory_space<hbm>> -> memref<128xf32, #tpu.memory_space<hbm>>
      tpu.wait_dma2 semaphore(%arg8 : memref<!tpu.dma_semaphore, #tpu.memory_space<semaphore_mem>>) src(%dma_wait3A_14 : memref<128xf32, #tpu.memory_space<hbm>>) dst(%arg6 : memref<128xf32, #tpu.memory_space<vmem>>)
      %iota3A = tpu.iota {dimensions = array<i32: 0>} : vector<16xi32>
      %broadcast_in_dim3A = arith.constant 0.000000e+00 : f32
      %broadcast_in_dim3A_15 = vector.broadcast %broadcast_in_dim3A : f32 to vector<16xf32>
      %get3A = arith.constant 0 : index
      %get3A_16 = tpu.vector_load %arg5[%get3A] {strides = array<i32>} : memref<128xf32, #tpu.memory_space<vmem>>, vector<16xf32>,
      %get3A_17 = vector.shape_cast %get3A_16 : vector<16xf32> to vector<16xf32>
      %xor3A = arith.constant 8 : i32
      %xor3A_18 = vector.broadcast %xor3A : i32 to vector<16xi32>
      %xor3A_19 = arith.xori %iota3A, %xor3A_18 : vector<16xi32>
      %lt3A_20 = arith.constant 0 : i32
      %lt3A_21 = vector.broadcast %lt3A_20 : i32 to vector<16xi32>
      %lt3A_22 = arith.cmpi slt, %xor3A_19, %lt3A_21 : vector<16xi32>
      %add3A_23 = arith.constant 16 : i32
      %add3A_24 = vector.broadcast %add3A_23 : i32 to vector<16xi32>
      %add3A_25 = arith.addi %xor3A_19, %add3A_24 : vector<16xi32>
      %select_n3A = arith.select %lt3A_22, %add3A_25, %xor3A_19 : vector<16xi1>, vector<16xi32>
      %broadcast_in_dim3A_26 = vector.shape_cast %select_n3A : vector<16xi32> to vector<16x1xi32>
      %gather3A = vector.shape_cast %broadcast_in_dim3A_26 : vector<16x1xi32> to vector<16xi32>
      %gather3A_27 = tpu.dynamic_gather %get3A_17[%gather3A] in [0] : vector<16xf32>, vector<16xi32> -> vector<16xf32>
      %max3A = arith.maximumf %get3A_17, %gather3A_27 : vector<16xf32>
      %xor3A_28 = arith.constant 4 : i32
      %xor3A_29 = vector.broadcast %xor3A_28 : i32 to vector<16xi32>
      %xor3A_30 = arith.xori %iota3A, %xor3A_29 : vector<16xi32>
      %lt3A_31 = arith.constant 0 : i32
      %lt3A_32 = vector.broadcast %lt3A_31 : i32 to vector<16xi32>
      %lt3A_33 = arith.cmpi slt, %xor3A_30, %lt3A_32 : vector<16xi32>
      %add3A_34 = arith.constant 16 : i32
      %add3A_35 = vector.broadcast %add3A_34 : i32 to vector<16xi32>
      %add3A_36 = arith.addi %xor3A_30, %add3A_35 : vector<16xi32>
      %select_n3A_37 = arith.select %lt3A_33, %add3A_36, %xor3A_30 : vector<16xi1>, vector<16xi32>
      %broadcast_in_dim3A_38 = vector.shape_cast %select_n3A_37 : vector<16xi32> to vector<16x1xi32>
      %gather3A_39 = vector.shape_cast %broadcast_in_dim3A_38 : vector<16x1xi32> to vector<16xi32>
      %gather3A_40 = tpu.dynamic_gather %max3A[%gather3A_39] in [0] : vector<16xf32>, vector<16xi32> -> vector<16xf32>
      %max3A_41 = arith.maximumf %max3A, %gather3A_40 : vector<16xf32>
      %xor3A_42 = arith.constant 2 : i32
      %xor3A_43 = vector.broadcast %xor3A_42 : i32 to vector<16xi32>
      %xor3A_44 = arith.xori %iota3A, %xor3A_43 : vector<16xi32>
      %lt3A_45 = arith.constant 0 : i32
      %lt3A_46 = vector.broadcast %lt3A_45 : i32 to vector<16xi32>
      %lt3A_47 = arith.cmpi slt, %xor3A_44, %lt3A_46 : vector<16xi32>
      %add3A_48 = arith.constant 16 : i32
      %add3A_49 = vector.broadcast %add3A_48 : i32 to vector<16xi32>
      %add3A_50 = arith.addi %xor3A_44, %add3A_49 : vector<16xi32>
      %select_n3A_51 = arith.select %lt3A_47, %add3A_50, %xor3A_44 : vector<16xi1>, vector<16xi32>
      %broadcast_in_dim3A_52 = vector.shape_cast %select_n3A_51 : vector<16xi32> to vector<16x1xi32>
      %gather3A_53 = vector.shape_cast %broadcast_in_dim3A_52 : vector<16x1xi32> to vector<16xi32>
      %gather3A_54 = tpu.dynamic_gather %max3A_41[%gather3A_53] in [0] : vector<16xf32>, vector<16xi32> -> vector<16xf32>
      %max3A_55 = arith.maximumf %max3A_41, %gather3A_54 : vector<16xf32>
      %xor3A_56 = arith.constant 1 : i32
      %xor3A_57 = vector.broadcast %xor3A_56 : i32 to vector<16xi32>
      %xor3A_58 = arith.xori %iota3A, %xor3A_57 : vector<16xi32>
      %lt3A_59 = arith.constant 0 : i32
      %lt3A_60 = vector.broadcast %lt3A_59 : i32 to vector<16xi32>
      %lt3A_61 = arith.cmpi slt, %xor3A_58, %lt3A_60 : vector<16xi32>
      %add3A_62 = arith.constant 16 : i32
      %add3A_63 = vector.broadcast %add3A_62 : i32 to vector<16xi32>
      %add3A_64 = arith.addi %xor3A_58, %add3A_63 : vector<16xi32>
      %select_n3A_65 = arith.select %lt3A_61, %add3A_64, %xor3A_58 : vector<16xi1>, vector<16xi32>
      %broadcast_in_dim3A_66 = vector.shape_cast %select_n3A_65 : vector<16xi32> to vector<16x1xi32>
      %gather3A_67 = vector.shape_cast %broadcast_in_dim3A_66 : vector<16x1xi32> to vector<16xi32>
      %gather3A_68 = tpu.dynamic_gather %max3A_55[%gather3A_67] in [0] : vector<16xf32>, vector<16xi32> -> vector<16xf32>
      %max3A_69 = arith.maximumf %max3A_55, %gather3A_68 : vector<16xf32>
      %eq3A = arith.cmpf oeq, %get3A_17, %max3A_69 : vector<16xf32>
      %jit3A = arith.constant 16 : i32
      %broadcast_in_dim3A_70 = vector.broadcast %jit3A : i32 to vector<16xi32>
      %select_n3A_71 = arith.select %eq3A, %iota3A, %broadcast_in_dim3A_70 : vector<16xi1>, vector<16xi32>
      %xor3A_72 = arith.constant 8 : i32
      %xor3A_73 = vector.broadcast %xor3A_72 : i32 to vector<16xi32>
      %xor3A_74 = arith.xori %iota3A, %xor3A_73 : vector<16xi32>
      %lt3A_75 = arith.constant 0 : i32
      %lt3A_76 = vector.broadcast %lt3A_75 : i32 to vector<16xi32>
      %lt3A_77 = arith.cmpi slt, %xor3A_74, %lt3A_76 : vector<16xi32>
      %add3A_78 = arith.constant 16 : i32
      %add3A_79 = vector.broadcast %add3A_78 : i32 to vector<16xi32>
      %add3A_80 = arith.addi %xor3A_74, %add3A_79 : vector<16xi32>
      %select_n3A_81 = arith.select %lt3A_77, %add3A_80, %xor3A_74 : vector<16xi1>, vector<16xi32>
      %broadcast_in_dim3A_82 = vector.shape_cast %select_n3A_81 : vector<16xi32> to vector<16x1xi32>
      %gather3A_83 = vector.shape_cast %broadcast_in_dim3A_82 : vector<16x1xi32> to vector<16xi32>
      %gather3A_84 = tpu.dynamic_gather %select_n3A_71[%gather3A_83] in [0] : vector<16xi32>, vector<16xi32> -> vector<16xi32>
      %min3A = arith.minsi %select_n3A_71, %gather3A_84 : vector<16xi32>
      %xor3A_85 = arith.constant 4 : i32
      %xor3A_86 = vector.broadcast %xor3A_85 : i32 to vector<16xi32>
      %xor3A_87 = arith.xori %iota3A, %xor3A_86 : vector<16xi32>
      %lt3A_88 = arith.constant 0 : i32
      %lt3A_89 = vector.broadcast %lt3A_88 : i32 to vector<16xi32>
      %lt3A_90 = arith.cmpi slt, %xor3A_87, %lt3A_89 : vector<16xi32>
      %add3A_91 = arith.constant 16 : i32
      %add3A_92 = vector.broadcast %add3A_91 : i32 to vector<16xi32>
      %add3A_93 = arith.addi %xor3A_87, %add3A_92 : vector<16xi32>
      %select_n3A_94 = arith.select %lt3A_90, %add3A_93, %xor3A_87 : vector<16xi1>, vector<16xi32>
      %broadcast_in_dim3A_95 = vector.shape_cast %select_n3A_94 : vector<16xi32> to vector<16x1xi32>
      %gather3A_96 = vector.shape_cast %broadcast_in_dim3A_95 : vector<16x1xi32> to vector<16xi32>
      %gather3A_97 = tpu.dynamic_gather %min3A[%gather3A_96] in [0] : vector<16xi32>, vector<16xi32> -> vector<16xi32>
      %min3A_98 = arith.minsi %min3A, %gather3A_97 : vector<16xi32>
      %xor3A_99 = arith.constant 2 : i32
      %xor3A_100 = vector.broadcast %xor3A_99 : i32 to vector<16xi32>
      %xor3A_101 = arith.xori %iota3A, %xor3A_100 : vector<16xi32>
      %lt3A_102 = arith.constant 0 : i32
      %lt3A_103 = vector.broadcast %lt3A_102 : i32 to vector<16xi32>
      %lt3A_104 = arith.cmpi slt, %xor3A_101, %lt3A_103 : vector<16xi32>
      %add3A_105 = arith.constant 16 : i32
      %add3A_106 = vector.broadcast %add3A_105 : i32 to vector<16xi32>
      %add3A_107 = arith.addi %xor3A_101, %add3A_106 : vector<16xi32>
      %select_n3A_108 = arith.select %lt3A_104, %add3A_107, %xor3A_101 : vector<16xi1>, vector<16xi32>
      %broadcast_in_dim3A_109 = vector.shape_cast %select_n3A_108 : vector<16xi32> to vector<16x1xi32>
      %gather3A_110 = vector.shape_cast %broadcast_in_dim3A_109 : vector<16x1xi32> to vector<16xi32>
      %gather3A_111 = tpu.dynamic_gather %min3A_98[%gather3A_110] in [0] : vector<16xi32>, vector<16xi32> -> vector<16xi32>
      %min3A_112 = arith.minsi %min3A_98, %gather3A_111 : vector<16xi32>
      %xor3A_113 = arith.constant 1 : i32
      %xor3A_114 = vector.broadcast %xor3A_113 : i32 to vector<16xi32>
      %xor3A_115 = arith.xori %iota3A, %xor3A_114 : vector<16xi32>
      %lt3A_116 = arith.constant 0 : i32
      %lt3A_117 = vector.broadcast %lt3A_116 : i32 to vector<16xi32>
      %lt3A_118 = arith.cmpi slt, %xor3A_115, %lt3A_117 : vector<16xi32>
      %add3A_119 = arith.constant 16 : i32
      %add3A_120 = vector.broadcast %add3A_119 : i32 to vector<16xi32>
      %add3A_121 = arith.addi %xor3A_115, %add3A_120 : vector<16xi32>
      %select_n3A_122 = arith.select %lt3A_118, %add3A_121, %xor3A_115 : vector<16xi1>, vector<16xi32>
      %broadcast_in_dim3A_123 = vector.shape_cast %select_n3A_122 : vector<16xi32> to vector<16x1xi32>
      %gather3A_124 = vector.shape_cast %broadcast_in_dim3A_123 : vector<16x1xi32> to vector<16xi32>
      %gather3A_125 = tpu.dynamic_gather %min3A_112[%gather3A_124] in [0] : vector<16xi32>, vector<16xi32> -> vector<16xi32>
      %min3A_126 = arith.minsi %min3A_112, %gather3A_125 : vector<16xi32>
      %get3A_127 = arith.constant 0 : index
      %get3A_128 = tpu.vector_load %arg6[%get3A_127] {strides = array<i32>} : memref<128xf32, #tpu.memory_space<vmem>>, vector<16xf32>,
      %get3A_129 = vector.shape_cast %get3A_128 : vector<16xf32> to vector<16xf32>
      %lt3A_130 = arith.constant 0 : i32
      %lt3A_131 = vector.broadcast %lt3A_130 : i32 to vector<16xi32>
      %lt3A_132 = arith.cmpi slt, %min3A_126, %lt3A_131 : vector<16xi32>
      %add3A_133 = arith.constant 16 : i32
      %add3A_134 = vector.broadcast %add3A_133 : i32 to vector<16xi32>
      %add3A_135 = arith.addi %min3A_126, %add3A_134 : vector<16xi32>
      %select_n3A_136 = arith.select %lt3A_132, %add3A_135, %min3A_126 : vector<16xi1>, vector<16xi32>
      %broadcast_in_dim3A_137 = vector.shape_cast %select_n3A_136 : vector<16xi32> to vector<16x1xi32>
      %gather3A_138 = vector.shape_cast %broadcast_in_dim3A_137 : vector<16x1xi32> to vector<16xi32>
      %gather3A_139 = tpu.dynamic_gather %get3A_129[%gather3A_138] in [0] : vector<16xf32>, vector<16xi32> -> vector<16xf32>
      %eq3A_140 = arith.constant 0 : i32
      %eq3A_141 = vector.broadcast %eq3A_140 : i32 to vector<16xi32>
      %eq3A_142 = arith.cmpi eq, %iota3A, %eq3A_141 : vector<16xi32>
      %select_n3A_143 = arith.select %eq3A_142, %gather3A_139, %broadcast_in_dim3A_15 : vector<16xi1>, vector<16xf32>
      %get3A_144 = arith.constant 16 : index
      %get3A_145 = tpu.vector_load %arg5[%get3A_144] {strides = array<i32>} : memref<128xf32, #tpu.memory_space<vmem>>, vector<16xf32>,
      %get3A_146 = vector.shape_cast %get3A_145 : vector<16xf32> to vector<16xf32>
      %xor3A_147 = arith.constant 8 : i32
      %xor3A_148 = vector.broadcast %xor3A_147 : i32 to vector<16xi32>
      %xor3A_149 = arith.xori %iota3A, %xor3A_148 : vector<16xi32>
      %lt3A_150 = arith.constant 0 : i32
      %lt3A_151 = vector.broadcast %lt3A_150 : i32 to vector<16xi32>
      %lt3A_152 = arith.cmpi slt, %xor3A_149, %lt3A_151 : vector<16xi32>
      %add3A_153 = arith.constant 16 : i32
      %add3A_154 = vector.broadcast %add3A_153 : i32 to vector<16xi32>
      %add3A_155 = arith.addi %xor3A_149, %add3A_154 : vector<16xi32>
      %select_n3A_156 = arith.select %lt3A_152, %add3A_155, %xor3A_149 : vector<16xi1>, vector<16xi32>
      %broadcast_in_dim3A_157 = vector.shape_cast %select_n3A_156 : vector<16xi32> to vector<16x1xi32>
      %gather3A_158 = vector.shape_cast %broadcast_in_dim3A_157 : vector<16x1xi32> to vector<16xi32>
      %gather3A_159 = tpu.dynamic_gather %get3A_146[%gather3A_158] in [0] : vector<16xf32>, vector<16xi32> -> vector<16xf32>
      %max3A_160 = arith.maximumf %get3A_146, %gather3A_159 : vector<16xf32>
      %xor3A_161 = arith.constant 4 : i32
      %xor3A_162 = vector.broadcast %xor3A_161 : i32 to vector<16xi32>
      %xor3A_163 = arith.xori %iota3A, %xor3A_162 : vector<16xi32>
      %lt3A_164 = arith.constant 0 : i32
      %lt3A_165 = vector.broadcast %lt3A_164 : i32 to vector<16xi32>
      %lt3A_166 = arith.cmpi slt, %xor3A_163, %lt3A_165 : vector<16xi32>
      %add3A_167 = arith.constant 16 : i32
      %add3A_168 = vector.broadcast %add3A_167 : i32 to vector<16xi32>
      %add3A_169 = arith.addi %xor3A_163, %add3A_168 : vector<16xi32>
      %select_n3A_170 = arith.select %lt3A_166, %add3A_169, %xor3A_163 : vector<16xi1>, vector<16xi32>
      %broadcast_in_dim3A_171 = vector.shape_cast %select_n3A_170 : vector<16xi32> to vector<16x1xi32>
      %gather3A_172 = vector.shape_cast %broadcast_in_dim3A_171 : vector<16x1xi32> to vector<16xi32>
      %gather3A_173 = tpu.dynamic_gather %max3A_160[%gather3A_172] in [0] : vector<16xf32>, vector<16xi32> -> vector<16xf32>
      %max3A_174 = arith.maximumf %max3A_160, %gather3A_173 : vector<16xf32>
      %xor3A_175 = arith.constant 2 : i32
      %xor3A_176 = vector.broadcast %xor3A_175 : i32 to vector<16xi32>
      %xor3A_177 = arith.xori %iota3A, %xor3A_176 : vector<16xi32>
      %lt3A_178 = arith.constant 0 : i32
      %lt3A_179 = vector.broadcast %lt3A_178 : i32 to vector<16xi32>
      %lt3A_180 = arith.cmpi slt, %xor3A_177, %lt3A_179 : vector<16xi32>
      %add3A_181 = arith.constant 16 : i32
      %add3A_182 = vector.broadcast %add3A_181 : i32 to vector<16xi32>
      %add3A_183 = arith.addi %xor3A_177, %add3A_182 : vector<16xi32>
      %select_n3A_184 = arith.select %lt3A_180, %add3A_183, %xor3A_177 : vector<16xi1>, vector<16xi32>
      %broadcast_in_dim3A_185 = vector.shape_cast %select_n3A_184 : vector<16xi32> to vector<16x1xi32>
      %gather3A_186 = vector.shape_cast %broadcast_in_dim3A_185 : vector<16x1xi32> to vector<16xi32>
      %gather3A_187 = tpu.dynamic_gather %max3A_174[%gather3A_186] in [0] : vector<16xf32>, vector<16xi32> -> vector<16xf32>
      %max3A_188 = arith.maximumf %max3A_174, %gather3A_187 : vector<16xf32>
      %xor3A_189 = arith.constant 1 : i32
      %xor3A_190 = vector.broadcast %xor3A_189 : i32 to vector<16xi32>
      %xor3A_191 = arith.xori %iota3A, %xor3A_190 : vector<16xi32>
      %lt3A_192 = arith.constant 0 : i32
      %lt3A_193 = vector.broadcast %lt3A_192 : i32 to vector<16xi32>
      %lt3A_194 = arith.cmpi slt, %xor3A_191, %lt3A_193 : vector<16xi32>
      %add3A_195 = arith.constant 16 : i32
      %add3A_196 = vector.broadcast %add3A_195 : i32 to vector<16xi32>
      %add3A_197 = arith.addi %xor3A_191, %add3A_196 : vector<16xi32>
      %select_n3A_198 = arith.select %lt3A_194, %add3A_197, %xor3A_191 : vector<16xi1>, vector<16xi32>
      %broadcast_in_dim3A_199 = vector.shape_cast %select_n3A_198 : vector<16xi32> to vector<16x1xi32>
      %gather3A_200 = vector.shape_cast %broadcast_in_dim3A_199 : vector<16x1xi32> to vector<16xi32>
      %gather3A_201 = tpu.dynamic_gather %max3A_188[%gather3A_200] in [0] : vector<16xf32>, vector<16xi32> -> vector<16xf32>
      %max3A_202 = arith.maximumf %max3A_188, %gather3A_201 : vector<16xf32>
      %eq3A_203 = arith.cmpf oeq, %get3A_146, %max3A_202 : vector<16xf32>
      %jit3A_204 = arith.constant 16 : i32
      %broadcast_in_dim3A_205 = vector.broadcast %jit3A_204 : i32 to vector<16xi32>
      %select_n3A_206 = arith.select %eq3A_203, %iota3A, %broadcast_in_dim3A_205 : vector<16xi1>, vector<16xi32>
      %xor3A_207 = arith.constant 8 : i32
      %xor3A_208 = vector.broadcast %xor3A_207 : i32 to vector<16xi32>
      %xor3A_209 = arith.xori %iota3A, %xor3A_208 : vector<16xi32>
      %lt3A_210 = arith.constant 0 : i32
      %lt3A_211 = vector.broadcast %lt3A_210 : i32 to vector<16xi32>
      %lt3A_212 = arith.cmpi slt, %xor3A_209, %lt3A_211 : vector<16xi32>
      %add3A_213 = arith.constant 16 : i32
      %add3A_214 = vector.broadcast %add3A_213 : i32 to vector<16xi32>
      %add3A_215 = arith.addi %xor3A_209, %add3A_214 : vector<16xi32>
      %select_n3A_216 = arith.select %lt3A_212, %add3A_215, %xor3A_209 : vector<16xi1>, vector<16xi32>
      %broadcast_in_dim3A_217 = vector.shape_cast %select_n3A_216 : vector<16xi32> to vector<16x1xi32>
      %gather3A_218 = vector.shape_cast %broadcast_in_dim3A_217 : vector<16x1xi32> to vector<16xi32>
      %gather3A_219 = tpu.dynamic_gather %select_n3A_206[%gather3A_218] in [0] : vector<16xi32>, vector<16xi32> -> vector<16xi32>
      %min3A_220 = arith.minsi %select_n3A_206, %gather3A_219 : vector<16xi32>
      %xor3A_221 = arith.constant 4 : i32
      %xor3A_222 = vector.broadcast %xor3A_221 : i32 to vector<16xi32>
      %xor3A_223 = arith.xori %iota3A, %xor3A_222 : vector<16xi32>
      %lt3A_224 = arith.constant 0 : i32
      %lt3A_225 = vector.broadcast %lt3A_224 : i32 to vector<16xi32>
      %lt3A_226 = arith.cmpi slt, %xor3A_223, %lt3A_225 : vector<16xi32>
      %add3A_227 = arith.constant 16 : i32
      %add3A_228 = vector.broadcast %add3A_227 : i32 to vector<16xi32>
      %add3A_229 = arith.addi %xor3A_223, %add3A_228 : vector<16xi32>
      %select_n3A_230 = arith.select %lt3A_226, %add3A_229, %xor3A_223 : vector<16xi1>, vector<16xi32>
      %broadcast_in_dim3A_231 = vector.shape_cast %select_n3A_230 : vector<16xi32> to vector<16x1xi32>
      %gather3A_232 = vector.shape_cast %broadcast_in_dim3A_231 : vector<16x1xi32> to vector<16xi32>
      %gather3A_233 = tpu.dynamic_gather %min3A_220[%gather3A_232] in [0] : vector<16xi32>, vector<16xi32> -> vector<16xi32>
      %min3A_234 = arith.minsi %min3A_220, %gather3A_233 : vector<16xi32>
      %xor3A_235 = arith.constant 2 : i32
      %xor3A_236 = vector.broadcast %xor3A_235 : i32 to vector<16xi32>
      %xor3A_237 = arith.xori %iota3A, %xor3A_236 : vector<16xi32>
      %lt3A_238 = arith.constant 0 : i32
      %lt3A_239 = vector.broadcast %lt3A_238 : i32 to vector<16xi32>
      %lt3A_240 = arith.cmpi slt, %xor3A_237, %lt3A_239 : vector<16xi32>
      %add3A_241 = arith.constant 16 : i32
      %add3A_242 = vector.broadcast %add3A_241 : i32 to vector<16xi32>
      %add3A_243 = arith.addi %xor3A_237, %add3A_242 : vector<16xi32>
      %select_n3A_244 = arith.select %lt3A_240, %add3A_243, %xor3A_237 : vector<16xi1>, vector<16xi32>
      %broadcast_in_dim3A_245 = vector.shape_cast %select_n3A_244 : vector<16xi32> to vector<16x1xi32>
      %gather3A_246 = vector.shape_cast %broadcast_in_dim3A_245 : vector<16x1xi32> to vector<16xi32>
      %gather3A_247 = tpu.dynamic_gather %min3A_234[%gather3A_246] in [0] : vector<16xi32>, vector<16xi32> -> vector<16xi32>
      %min3A_248 = arith.minsi %min3A_234, %gather3A_247 : vector<16xi32>
      %xor3A_249 = arith.constant 1 : i32
      %xor3A_250 = vector.broadcast %xor3A_249 : i32 to vector<16xi32>
      %xor3A_251 = arith.xori %iota3A, %xor3A_250 : vector<16xi32>
      %lt3A_252 = arith.constant 0 : i32
      %lt3A_253 = vector.broadcast %lt3A_252 : i32 to vector<16xi32>
      %lt3A_254 = arith.cmpi slt, %xor3A_251, %lt3A_253 : vector<16xi32>
      %add3A_255 = arith.constant 16 : i32
      %add3A_256 = vector.broadcast %add3A_255 : i32 to vector<16xi32>
      %add3A_257 = arith.addi %xor3A_251, %add3A_256 : vector<16xi32>
      %select_n3A_258 = arith.select %lt3A_254, %add3A_257, %xor3A_251 : vector<16xi1>, vector<16xi32>
      %broadcast_in_dim3A_259 = vector.shape_cast %select_n3A_258 : vector<16xi32> to vector<16x1xi32>
      %gather3A_260 = vector.shape_cast %broadcast_in_dim3A_259 : vector<16x1xi32> to vector<16xi32>
      %gather3A_261 = tpu.dynamic_gather %min3A_248[%gather3A_260] in [0] : vector<16xi32>, vector<16xi32> -> vector<16xi32>
      %min3A_262 = arith.minsi %min3A_248, %gather3A_261 : vector<16xi32>
      %get3A_263 = arith.constant 16 : index
      %get3A_264 = tpu.vector_load %arg6[%get3A_263] {strides = array<i32>} : memref<128xf32, #tpu.memory_space<vmem>>, vector<16xf32>,
      %get3A_265 = vector.shape_cast %get3A_264 : vector<16xf32> to vector<16xf32>
      %lt3A_266 = arith.constant 0 : i32
      %lt3A_267 = vector.broadcast %lt3A_266 : i32 to vector<16xi32>
      %lt3A_268 = arith.cmpi slt, %min3A_262, %lt3A_267 : vector<16xi32>
      %add3A_269 = arith.constant 16 : i32
      %add3A_270 = vector.broadcast %add3A_269 : i32 to vector<16xi32>
      %add3A_271 = arith.addi %min3A_262, %add3A_270 : vector<16xi32>
      %select_n3A_272 = arith.select %lt3A_268, %add3A_271, %min3A_262 : vector<16xi1>, vector<16xi32>
      %broadcast_in_dim3A_273 = vector.shape_cast %select_n3A_272 : vector<16xi32> to vector<16x1xi32>
      %gather3A_274 = vector.shape_cast %broadcast_in_dim3A_273 : vector<16x1xi32> to vector<16xi32>
      %gather3A_275 = tpu.dynamic_gather %get3A_265[%gather3A_274] in [0] : vector<16xf32>, vector<16xi32> -> vector<16xf32>
      %eq3A_276 = arith.constant 1 : i32
      %eq3A_277 = vector.broadcast %eq3A_276 : i32 to vector<16xi32>
      %eq3A_278 = arith.cmpi eq, %iota3A, %eq3A_277 : vector<16xi32>
      %select_n3A_279 = arith.select %eq3A_278, %gather3A_275, %select_n3A_143 : vector<16xi1>, vector<16xf32>
      %get3A_280 = arith.constant 32 : index
      %get3A_281 = tpu.vector_load %arg5[%get3A_280] {strides = array<i32>} : memref<128xf32, #tpu.memory_space<vmem>>, vector<16xf32>,
      %get3A_282 = vector.shape_cast %get3A_281 : vector<16xf32> to vector<16xf32>
      %xor3A_283 = arith.constant 8 : i32
      %xor3A_284 = vector.broadcast %xor3A_283 : i32 to vector<16xi32>
      %xor3A_285 = arith.xori %iota3A, %xor3A_284 : vector<16xi32>
      %lt3A_286 = arith.constant 0 : i32
      %lt3A_287 = vector.broadcast %lt3A_286 : i32 to vector<16xi32>
      %lt3A_288 = arith.cmpi slt, %xor3A_285, %lt3A_287 : vector<16xi32>
      %add3A_289 = arith.constant 16 : i32
      %add3A_290 = vector.broadcast %add3A_289 : i32 to vector<16xi32>
      %add3A_291 = arith.addi %xor3A_285, %add3A_290 : vector<16xi32>
      %select_n3A_292 = arith.select %lt3A_288, %add3A_291, %xor3A_285 : vector<16xi1>, vector<16xi32>
      %broadcast_in_dim3A_293 = vector.shape_cast %select_n3A_292 : vector<16xi32> to vector<16x1xi32>
      %gather3A_294 = vector.shape_cast %broadcast_in_dim3A_293 : vector<16x1xi32> to vector<16xi32>
      %gather3A_295 = tpu.dynamic_gather %get3A_282[%gather3A_294] in [0] : vector<16xf32>, vector<16xi32> -> vector<16xf32>
      %max3A_296 = arith.maximumf %get3A_282, %gather3A_295 : vector<16xf32>
      %xor3A_297 = arith.constant 4 : i32
      %xor3A_298 = vector.broadcast %xor3A_297 : i32 to vector<16xi32>
      %xor3A_299 = arith.xori %iota3A, %xor3A_298 : vector<16xi32>
      %lt3A_300 = arith.constant 0 : i32
      %lt3A_301 = vector.broadcast %lt3A_300 : i32 to vector<16xi32>
      %lt3A_302 = arith.cmpi slt, %xor3A_299, %lt3A_301 : vector<16xi32>
      %add3A_303 = arith.constant 16 : i32
      %add3A_304 = vector.broadcast %add3A_303 : i32 to vector<16xi32>
      %add3A_305 = arith.addi %xor3A_299, %add3A_304 : vector<16xi32>
      %select_n3A_306 = arith.select %lt3A_302, %add3A_305, %xor3A_299 : vector<16xi1>, vector<16xi32>
      %broadcast_in_dim3A_307 = vector.shape_cast %select_n3A_306 : vector<16xi32> to vector<16x1xi32>
      %gather3A_308 = vector.shape_cast %broadcast_in_dim3A_307 : vector<16x1xi32> to vector<16xi32>
      %gather3A_309 = tpu.dynamic_gather %max3A_296[%gather3A_308] in [0] : vector<16xf32>, vector<16xi32> -> vector<16xf32>
      %max3A_310 = arith.maximumf %max3A_296, %gather3A_309 : vector<16xf32>
      %xor3A_311 = arith.constant 2 : i32
      %xor3A_312 = vector.broadcast %xor3A_311 : i32 to vector<16xi32>
      %xor3A_313 = arith.xori %iota3A, %xor3A_312 : vector<16xi32>
      %lt3A_314 = arith.constant 0 : i32
      %lt3A_315 = vector.broadcast %lt3A_314 : i32 to vector<16xi32>
      %lt3A_316 = arith.cmpi slt, %xor3A_313, %lt3A_315 : vector<16xi32>
      %add3A_317 = arith.constant 16 : i32
      %add3A_318 = vector.broadcast %add3A_317 : i32 to vector<16xi32>
      %add3A_319 = arith.addi %xor3A_313, %add3A_318 : vector<16xi32>
      %select_n3A_320 = arith.select %lt3A_316, %add3A_319, %xor3A_313 : vector<16xi1>, vector<16xi32>
      %broadcast_in_dim3A_321 = vector.shape_cast %select_n3A_320 : vector<16xi32> to vector<16x1xi32>
      %gather3A_322 = vector.shape_cast %broadcast_in_dim3A_321 : vector<16x1xi32> to vector<16xi32>
      %gather3A_323 = tpu.dynamic_gather %max3A_310[%gather3A_322] in [0] : vector<16xf32>, vector<16xi32> -> vector<16xf32>
      %max3A_324 = arith.maximumf %max3A_310, %gather3A_323 : vector<16xf32>
      %xor3A_325 = arith.constant 1 : i32
      %xor3A_326 = vector.broadcast %xor3A_325 : i32 to vector<16xi32>
      %xor3A_327 = arith.xori %iota3A, %xor3A_326 : vector<16xi32>
      %lt3A_328 = arith.constant 0 : i32
      %lt3A_329 = vector.broadcast %lt3A_328 : i32 to vector<16xi32>
      %lt3A_330 = arith.cmpi slt, %xor3A_327, %lt3A_329 : vector<16xi32>
      %add3A_331 = arith.constant 16 : i32
      %add3A_332 = vector.broadcast %add3A_331 : i32 to vector<16xi32>
      %add3A_333 = arith.addi %xor3A_327, %add3A_332 : vector<16xi32>
      %select_n3A_334 = arith.select %lt3A_330, %add3A_333, %xor3A_327 : vector<16xi1>, vector<16xi32>
      %broadcast_in_dim3A_335 = vector.shape_cast %select_n3A_334 : vector<16xi32> to vector<16x1xi32>
      %gather3A_336 = vector.shape_cast %broadcast_in_dim3A_335 : vector<16x1xi32> to vector<16xi32>
      %gather3A_337 = tpu.dynamic_gather %max3A_324[%gather3A_336] in [0] : vector<16xf32>, vector<16xi32> -> vector<16xf32>
      %max3A_338 = arith.maximumf %max3A_324, %gather3A_337 : vector<16xf32>
      %eq3A_339 = arith.cmpf oeq, %get3A_282, %max3A_338 : vector<16xf32>
      %jit3A_340 = arith.constant 16 : i32
      %broadcast_in_dim3A_341 = vector.broadcast %jit3A_340 : i32 to vector<16xi32>
      %select_n3A_342 = arith.select %eq3A_339, %iota3A, %broadcast_in_dim3A_341 : vector<16xi1>, vector<16xi32>
      %xor3A_343 = arith.constant 8 : i32
      %xor3A_344 = vector.broadcast %xor3A_343 : i32 to vector<16xi32>
      %xor3A_345 = arith.xori %iota3A, %xor3A_344 : vector<16xi32>
      %lt3A_346 = arith.constant 0 : i32
      %lt3A_347 = vector.broadcast %lt3A_346 : i32 to vector<16xi32>
      %lt3A_348 = arith.cmpi slt, %xor3A_345, %lt3A_347 : vector<16xi32>
      %add3A_349 = arith.constant 16 : i32
      %add3A_350 = vector.broadcast %add3A_349 : i32 to vector<16xi32>
      %add3A_351 = arith.addi %xor3A_345, %add3A_350 : vector<16xi32>
      %select_n3A_352 = arith.select %lt3A_348, %add3A_351, %xor3A_345 : vector<16xi1>, vector<16xi32>
      %broadcast_in_dim3A_353 = vector.shape_cast %select_n3A_352 : vector<16xi32> to vector<16x1xi32>
      %gather3A_354 = vector.shape_cast %broadcast_in_dim3A_353 : vector<16x1xi32> to vector<16xi32>
      %gather3A_355 = tpu.dynamic_gather %select_n3A_342[%gather3A_354] in [0] : vector<16xi32>, vector<16xi32> -> vector<16xi32>
      %min3A_356 = arith.minsi %select_n3A_342, %gather3A_355 : vector<16xi32>
      %xor3A_357 = arith.constant 4 : i32
      %xor3A_358 = vector.broadcast %xor3A_357 : i32 to vector<16xi32>
      %xor3A_359 = arith.xori %iota3A, %xor3A_358 : vector<16xi32>
      %lt3A_360 = arith.constant 0 : i32
      %lt3A_361 = vector.broadcast %lt3A_360 : i32 to vector<16xi32>
      %lt3A_362 = arith.cmpi slt, %xor3A_359, %lt3A_361 : vector<16xi32>
      %add3A_363 = arith.constant 16 : i32
      %add3A_364 = vector.broadcast %add3A_363 : i32 to vector<16xi32>
      %add3A_365 = arith.addi %xor3A_359, %add3A_364 : vector<16xi32>
      %select_n3A_366 = arith.select %lt3A_362, %add3A_365, %xor3A_359 : vector<16xi1>, vector<16xi32>
      %broadcast_in_dim3A_367 = vector.shape_cast %select_n3A_366 : vector<16xi32> to vector<16x1xi32>
      %gather3A_368 = vector.shape_cast %broadcast_in_dim3A_367 : vector<16x1xi32> to vector<16xi32>
      %gather3A_369 = tpu.dynamic_gather %min3A_356[%gather3A_368] in [0] : vector<16xi32>, vector<16xi32> -> vector<16xi32>
      %min3A_370 = arith.minsi %min3A_356, %gather3A_369 : vector<16xi32>
      %xor3A_371 = arith.constant 2 : i32
      %xor3A_372 = vector.broadcast %xor3A_371 : i32 to vector<16xi32>
      %xor3A_373 = arith.xori %iota3A, %xor3A_372 : vector<16xi32>
      %lt3A_374 = arith.constant 0 : i32
      %lt3A_375 = vector.broadcast %lt3A_374 : i32 to vector<16xi32>
      %lt3A_376 = arith.cmpi slt, %xor3A_373, %lt3A_375 : vector<16xi32>
      %add3A_377 = arith.constant 16 : i32
      %add3A_378 = vector.broadcast %add3A_377 : i32 to vector<16xi32>
      %add3A_379 = arith.addi %xor3A_373, %add3A_378 : vector<16xi32>
      %select_n3A_380 = arith.select %lt3A_376, %add3A_379, %xor3A_373 : vector<16xi1>, vector<16xi32>
      %broadcast_in_dim3A_381 = vector.shape_cast %select_n3A_380 : vector<16xi32> to vector<16x1xi32>
      %gather3A_382 = vector.shape_cast %broadcast_in_dim3A_381 : vector<16x1xi32> to vector<16xi32>
      %gather3A_383 = tpu.dynamic_gather %min3A_370[%gather3A_382] in [0] : vector<16xi32>, vector<16xi32> -> vector<16xi32>
      %min3A_384 = arith.minsi %min3A_370, %gather3A_383 : vector<16xi32>
      %xor3A_385 = arith.constant 1 : i32
      %xor3A_386 = vector.broadcast %xor3A_385 : i32 to vector<16xi32>
      %xor3A_387 = arith.xori %iota3A, %xor3A_386 : vector<16xi32>
      %lt3A_388 = arith.constant 0 : i32
      %lt3A_389 = vector.broadcast %lt3A_388 : i32 to vector<16xi32>
      %lt3A_390 = arith.cmpi slt, %xor3A_387, %lt3A_389 : vector<16xi32>
      %add3A_391 = arith.constant 16 : i32
      %add3A_392 = vector.broadcast %add3A_391 : i32 to vector<16xi32>
      %add3A_393 = arith.addi %xor3A_387, %add3A_392 : vector<16xi32>
      %select_n3A_394 = arith.select %lt3A_390, %add3A_393, %xor3A_387 : vector<16xi1>, vector<16xi32>
      %broadcast_in_dim3A_395 = vector.shape_cast %select_n3A_394 : vector<16xi32> to vector<16x1xi32>
      %gather3A_396 = vector.shape_cast %broadcast_in_dim3A_395 : vector<16x1xi32> to vector<16xi32>
      %gather3A_397 = tpu.dynamic_gather %min3A_384[%gather3A_396] in [0] : vector<16xi32>, vector<16xi32> -> vector<16xi32>
      %min3A_398 = arith.minsi %min3A_384, %gather3A_397 : vector<16xi32>
      %get3A_399 = arith.constant 32 : index
      %get3A_400 = tpu.vector_load %arg6[%get3A_399] {strides = array<i32>} : memref<128xf32, #tpu.memory_space<vmem>>, vector<16xf32>,
      %get3A_401 = vector.shape_cast %get3A_400 : vector<16xf32> to vector<16xf32>
      %lt3A_402 = arith.constant 0 : i32
      %lt3A_403 = vector.broadcast %lt3A_402 : i32 to vector<16xi32>
      %lt3A_404 = arith.cmpi slt, %min3A_398, %lt3A_403 : vector<16xi32>
      %add3A_405 = arith.constant 16 : i32
      %add3A_406 = vector.broadcast %add3A_405 : i32 to vector<16xi32>
      %add3A_407 = arith.addi %min3A_398, %add3A_406 : vector<16xi32>
      %select_n3A_408 = arith.select %lt3A_404, %add3A_407, %min3A_398 : vector<16xi1>, vector<16xi32>
      %broadcast_in_dim3A_409 = vector.shape_cast %select_n3A_408 : vector<16xi32> to vector<16x1xi32>
      %gather3A_410 = vector.shape_cast %broadcast_in_dim3A_409 : vector<16x1xi32> to vector<16xi32>
      %gather3A_411 = tpu.dynamic_gather %get3A_401[%gather3A_410] in [0] : vector<16xf32>, vector<16xi32> -> vector<16xf32>
      %eq3A_412 = arith.constant 2 : i32
      %eq3A_413 = vector.broadcast %eq3A_412 : i32 to vector<16xi32>
      %eq3A_414 = arith.cmpi eq, %iota3A, %eq3A_413 : vector<16xi32>
      %select_n3A_415 = arith.select %eq3A_414, %gather3A_411, %select_n3A_279 : vector<16xi1>, vector<16xf32>
      %get3A_416 = arith.constant 48 : index
      %get3A_417 = tpu.vector_load %arg5[%get3A_416] {strides = array<i32>} : memref<128xf32, #tpu.memory_space<vmem>>, vector<16xf32>,
      %get3A_418 = vector.shape_cast %get3A_417 : vector<16xf32> to vector<16xf32>
      %xor3A_419 = arith.constant 8 : i32
      %xor3A_420 = vector.broadcast %xor3A_419 : i32 to vector<16xi32>
      %xor3A_421 = arith.xori %iota3A, %xor3A_420 : vector<16xi32>
      %lt3A_422 = arith.constant 0 : i32
      %lt3A_423 = vector.broadcast %lt3A_422 : i32 to vector<16xi32>
      %lt3A_424 = arith.cmpi slt, %xor3A_421, %lt3A_423 : vector<16xi32>
      %add3A_425 = arith.constant 16 : i32
      %add3A_426 = vector.broadcast %add3A_425 : i32 to vector<16xi32>
      %add3A_427 = arith.addi %xor3A_421, %add3A_426 : vector<16xi32>
      %select_n3A_428 = arith.select %lt3A_424, %add3A_427, %xor3A_421 : vector<16xi1>, vector<16xi32>
      %broadcast_in_dim3A_429 = vector.shape_cast %select_n3A_428 : vector<16xi32> to vector<16x1xi32>
      %gather3A_430 = vector.shape_cast %broadcast_in_dim3A_429 : vector<16x1xi32> to vector<16xi32>
      %gather3A_431 = tpu.dynamic_gather %get3A_418[%gather3A_430] in [0] : vector<16xf32>, vector<16xi32> -> vector<16xf32>
      %max3A_432 = arith.maximumf %get3A_418, %gather3A_431 : vector<16xf32>
      %xor3A_433 = arith.constant 4 : i32
      %xor3A_434 = vector.broadcast %xor3A_433 : i32 to vector<16xi32>
      %xor3A_435 = arith.xori %iota3A, %xor3A_434 : vector<16xi32>
      %lt3A_436 = arith.constant 0 : i32
      %lt3A_437 = vector.broadcast %lt3A_436 : i32 to vector<16xi32>
      %lt3A_438 = arith.cmpi slt, %xor3A_435, %lt3A_437 : vector<16xi32>
      %add3A_439 = arith.constant 16 : i32
      %add3A_440 = vector.broadcast %add3A_439 : i32 to vector<16xi32>
      %add3A_441 = arith.addi %xor3A_435, %add3A_440 : vector<16xi32>
      %select_n3A_442 = arith.select %lt3A_438, %add3A_441, %xor3A_435 : vector<16xi1>, vector<16xi32>
      %broadcast_in_dim3A_443 = vector.shape_cast %select_n3A_442 : vector<16xi32> to vector<16x1xi32>
      %gather3A_444 = vector.shape_cast %broadcast_in_dim3A_443 : vector<16x1xi32> to vector<16xi32>
      %gather3A_445 = tpu.dynamic_gather %max3A_432[%gather3A_444] in [0] : vector<16xf32>, vector<16xi32> -> vector<16xf32>
      %max3A_446 = arith.maximumf %max3A_432, %gather3A_445 : vector<16xf32>
      %xor3A_447 = arith.constant 2 : i32
      %xor3A_448 = vector.broadcast %xor3A_447 : i32 to vector<16xi32>
      %xor3A_449 = arith.xori %iota3A, %xor3A_448 : vector<16xi32>
      %lt3A_450 = arith.constant 0 : i32
      %lt3A_451 = vector.broadcast %lt3A_450 : i32 to vector<16xi32>
      %lt3A_452 = arith.cmpi slt, %xor3A_449, %lt3A_451 : vector<16xi32>
      %add3A_453 = arith.constant 16 : i32
      %add3A_454 = vector.broadcast %add3A_453 : i32 to vector<16xi32>
      %add3A_455 = arith.addi %xor3A_449, %add3A_454 : vector<16xi32>
      %select_n3A_456 = arith.select %lt3A_452, %add3A_455, %xor3A_449 : vector<16xi1>, vector<16xi32>
      %broadcast_in_dim3A_457 = vector.shape_cast %select_n3A_456 : vector<16xi32> to vector<16x1xi32>
      %gather3A_458 = vector.shape_cast %broadcast_in_dim3A_457 : vector<16x1xi32> to vector<16xi32>
      %gather3A_459 = tpu.dynamic_gather %max3A_446[%gather3A_458] in [0] : vector<16xf32>, vector<16xi32> -> vector<16xf32>
      %max3A_460 = arith.maximumf %max3A_446, %gather3A_459 : vector<16xf32>
      %xor3A_461 = arith.constant 1 : i32
      %xor3A_462 = vector.broadcast %xor3A_461 : i32 to vector<16xi32>
      %xor3A_463 = arith.xori %iota3A, %xor3A_462 : vector<16xi32>
      %lt3A_464 = arith.constant 0 : i32
      %lt3A_465 = vector.broadcast %lt3A_464 : i32 to vector<16xi32>
      %lt3A_466 = arith.cmpi slt, %xor3A_463, %lt3A_465 : vector<16xi32>
      %add3A_467 = arith.constant 16 : i32
      %add3A_468 = vector.broadcast %add3A_467 : i32 to vector<16xi32>
      %add3A_469 = arith.addi %xor3A_463, %add3A_468 : vector<16xi32>
      %select_n3A_470 = arith.select %lt3A_466, %add3A_469, %xor3A_463 : vector<16xi1>, vector<16xi32>
      %broadcast_in_dim3A_471 = vector.shape_cast %select_n3A_470 : vector<16xi32> to vector<16x1xi32>
      %gather3A_472 = vector.shape_cast %broadcast_in_dim3A_471 : vector<16x1xi32> to vector<16xi32>
      %gather3A_473 = tpu.dynamic_gather %max3A_460[%gather3A_472] in [0] : vector<16xf32>, vector<16xi32> -> vector<16xf32>
      %max3A_474 = arith.maximumf %max3A_460, %gather3A_473 : vector<16xf32>
      %eq3A_475 = arith.cmpf oeq, %get3A_418, %max3A_474 : vector<16xf32>
      %jit3A_476 = arith.constant 16 : i32
      %broadcast_in_dim3A_477 = vector.broadcast %jit3A_476 : i32 to vector<16xi32>
      %select_n3A_478 = arith.select %eq3A_475, %iota3A, %broadcast_in_dim3A_477 : vector<16xi1>, vector<16xi32>
      %xor3A_479 = arith.constant 8 : i32
      %xor3A_480 = vector.broadcast %xor3A_479 : i32 to vector<16xi32>
      %xor3A_481 = arith.xori %iota3A, %xor3A_480 : vector<16xi32>
      %lt3A_482 = arith.constant 0 : i32
      %lt3A_483 = vector.broadcast %lt3A_482 : i32 to vector<16xi32>
      %lt3A_484 = arith.cmpi slt, %xor3A_481, %lt3A_483 : vector<16xi32>
      %add3A_485 = arith.constant 16 : i32
      %add3A_486 = vector.broadcast %add3A_485 : i32 to vector<16xi32>
      %add3A_487 = arith.addi %xor3A_481, %add3A_486 : vector<16xi32>
      %select_n3A_488 = arith.select %lt3A_484, %add3A_487, %xor3A_481 : vector<16xi1>, vector<16xi32>
      %broadcast_in_dim3A_489 = vector.shape_cast %select_n3A_488 : vector<16xi32> to vector<16x1xi32>
      %gather3A_490 = vector.shape_cast %broadcast_in_dim3A_489 : vector<16x1xi32> to vector<16xi32>
      %gather3A_491 = tpu.dynamic_gather %select_n3A_478[%gather3A_490] in [0] : vector<16xi32>, vector<16xi32> -> vector<16xi32>
      %min3A_492 = arith.minsi %select_n3A_478, %gather3A_491 : vector<16xi32>
      %xor3A_493 = arith.constant 4 : i32
      %xor3A_494 = vector.broadcast %xor3A_493 : i32 to vector<16xi32>
      %xor3A_495 = arith.xori %iota3A, %xor3A_494 : vector<16xi32>
      %lt3A_496 = arith.constant 0 : i32
      %lt3A_497 = vector.broadcast %lt3A_496 : i32 to vector<16xi32>
      %lt3A_498 = arith.cmpi slt, %xor3A_495, %lt3A_497 : vector<16xi32>
      %add3A_499 = arith.constant 16 : i32
      %add3A_500 = vector.broadcast %add3A_499 : i32 to vector<16xi32>
      %add3A_501 = arith.addi %xor3A_495, %add3A_500 : vector<16xi32>
      %select_n3A_502 = arith.select %lt3A_498, %add3A_501, %xor3A_495 : vector<16xi1>, vector<16xi32>
      %broadcast_in_dim3A_503 = vector.shape_cast %select_n3A_502 : vector<16xi32> to vector<16x1xi32>
      %gather3A_504 = vector.shape_cast %broadcast_in_dim3A_503 : vector<16x1xi32> to vector<16xi32>
      %gather3A_505 = tpu.dynamic_gather %min3A_492[%gather3A_504] in [0] : vector<16xi32>, vector<16xi32> -> vector<16xi32>
      %min3A_506 = arith.minsi %min3A_492, %gather3A_505 : vector<16xi32>
      %xor3A_507 = arith.constant 2 : i32
      %xor3A_508 = vector.broadcast %xor3A_507 : i32 to vector<16xi32>
      %xor3A_509 = arith.xori %iota3A, %xor3A_508 : vector<16xi32>
      %lt3A_510 = arith.constant 0 : i32
      %lt3A_511 = vector.broadcast %lt3A_510 : i32 to vector<16xi32>
      %lt3A_512 = arith.cmpi slt, %xor3A_509, %lt3A_511 : vector<16xi32>
      %add3A_513 = arith.constant 16 : i32
      %add3A_514 = vector.broadcast %add3A_513 : i32 to vector<16xi32>
      %add3A_515 = arith.addi %xor3A_509, %add3A_514 : vector<16xi32>
      %select_n3A_516 = arith.select %lt3A_512, %add3A_515, %xor3A_509 : vector<16xi1>, vector<16xi32>
      %broadcast_in_dim3A_517 = vector.shape_cast %select_n3A_516 : vector<16xi32> to vector<16x1xi32>
      %gather3A_518 = vector.shape_cast %broadcast_in_dim3A_517 : vector<16x1xi32> to vector<16xi32>
      %gather3A_519 = tpu.dynamic_gather %min3A_506[%gather3A_518] in [0] : vector<16xi32>, vector<16xi32> -> vector<16xi32>
      %min3A_520 = arith.minsi %min3A_506, %gather3A_519 : vector<16xi32>
      %xor3A_521 = arith.constant 1 : i32
      %xor3A_522 = vector.broadcast %xor3A_521 : i32 to vector<16xi32>
      %xor3A_523 = arith.xori %iota3A, %xor3A_522 : vector<16xi32>
      %lt3A_524 = arith.constant 0 : i32
      %lt3A_525 = vector.broadcast %lt3A_524 : i32 to vector<16xi32>
      %lt3A_526 = arith.cmpi slt, %xor3A_523, %lt3A_525 : vector<16xi32>
      %add3A_527 = arith.constant 16 : i32
      %add3A_528 = vector.broadcast %add3A_527 : i32 to vector<16xi32>
      %add3A_529 = arith.addi %xor3A_523, %add3A_528 : vector<16xi32>
      %select_n3A_530 = arith.select %lt3A_526, %add3A_529, %xor3A_523 : vector<16xi1>, vector<16xi32>
      %broadcast_in_dim3A_531 = vector.shape_cast %select_n3A_530 : vector<16xi32> to vector<16x1xi32>
      %gather3A_532 = vector.shape_cast %broadcast_in_dim3A_531 : vector<16x1xi32> to vector<16xi32>
      %gather3A_533 = tpu.dynamic_gather %min3A_520[%gather3A_532] in [0] : vector<16xi32>, vector<16xi32> -> vector<16xi32>
      %min3A_534 = arith.minsi %min3A_520, %gather3A_533 : vector<16xi32>
      %get3A_535 = arith.constant 48 : index
      %get3A_536 = tpu.vector_load %arg6[%get3A_535] {strides = array<i32>} : memref<128xf32, #tpu.memory_space<vmem>>, vector<16xf32>,
      %get3A_537 = vector.shape_cast %get3A_536 : vector<16xf32> to vector<16xf32>
      %lt3A_538 = arith.constant 0 : i32
      %lt3A_539 = vector.broadcast %lt3A_538 : i32 to vector<16xi32>
      %lt3A_540 = arith.cmpi slt, %min3A_534, %lt3A_539 : vector<16xi32>
      %add3A_541 = arith.constant 16 : i32
      %add3A_542 = vector.broadcast %add3A_541 : i32 to vector<16xi32>
      %add3A_543 = arith.addi %min3A_534, %add3A_542 : vector<16xi32>
      %select_n3A_544 = arith.select %lt3A_540, %add3A_543, %min3A_534 : vector<16xi1>, vector<16xi32>
      %broadcast_in_dim3A_545 = vector.shape_cast %select_n3A_544 : vector<16xi32> to vector<16x1xi32>
      %gather3A_546 = vector.shape_cast %broadcast_in_dim3A_545 : vector<16x1xi32> to vector<16xi32>
      %gather3A_547 = tpu.dynamic_gather %get3A_537[%gather3A_546] in [0] : vector<16xf32>, vector<16xi32> -> vector<16xf32>
      %eq3A_548 = arith.constant 3 : i32
      %eq3A_549 = vector.broadcast %eq3A_548 : i32 to vector<16xi32>
      %eq3A_550 = arith.cmpi eq, %iota3A, %eq3A_549 : vector<16xi32>
      %select_n3A_551 = arith.select %eq3A_550, %gather3A_547, %select_n3A_415 : vector<16xi1>, vector<16xf32>
      %get3A_552 = arith.constant 64 : index
      %get3A_553 = tpu.vector_load %arg5[%get3A_552] {strides = array<i32>} : memref<128xf32, #tpu.memory_space<vmem>>, vector<16xf32>,
      %get3A_554 = vector.shape_cast %get3A_553 : vector<16xf32> to vector<16xf32>
      %xor3A_555 = arith.constant 8 : i32
      %xor3A_556 = vector.broadcast %xor3A_555 : i32 to vector<16xi32>
      %xor3A_557 = arith.xori %iota3A, %xor3A_556 : vector<16xi32>
      %lt3A_558 = arith.constant 0 : i32
      %lt3A_559 = vector.broadcast %lt3A_558 : i32 to vector<16xi32>
      %lt3A_560 = arith.cmpi slt, %xor3A_557, %lt3A_559 : vector<16xi32>
      %add3A_561 = arith.constant 16 : i32
      %add3A_562 = vector.broadcast %add3A_561 : i32 to vector<16xi32>
      %add3A_563 = arith.addi %xor3A_557, %add3A_562 : vector<16xi32>
      %select_n3A_564 = arith.select %lt3A_560, %add3A_563, %xor3A_557 : vector<16xi1>, vector<16xi32>
      %broadcast_in_dim3A_565 = vector.shape_cast %select_n3A_564 : vector<16xi32> to vector<16x1xi32>
      %gather3A_566 = vector.shape_cast %broadcast_in_dim3A_565 : vector<16x1xi32> to vector<16xi32>
      %gather3A_567 = tpu.dynamic_gather %get3A_554[%gather3A_566] in [0] : vector<16xf32>, vector<16xi32> -> vector<16xf32>
      %max3A_568 = arith.maximumf %get3A_554, %gather3A_567 : vector<16xf32>
      %xor3A_569 = arith.constant 4 : i32
      %xor3A_570 = vector.broadcast %xor3A_569 : i32 to vector<16xi32>
      %xor3A_571 = arith.xori %iota3A, %xor3A_570 : vector<16xi32>
      %lt3A_572 = arith.constant 0 : i32
      %lt3A_573 = vector.broadcast %lt3A_572 : i32 to vector<16xi32>
      %lt3A_574 = arith.cmpi slt, %xor3A_571, %lt3A_573 : vector<16xi32>
      %add3A_575 = arith.constant 16 : i32
      %add3A_576 = vector.broadcast %add3A_575 : i32 to vector<16xi32>
      %add3A_577 = arith.addi %xor3A_571, %add3A_576 : vector<16xi32>
      %select_n3A_578 = arith.select %lt3A_574, %add3A_577, %xor3A_571 : vector<16xi1>, vector<16xi32>
      %broadcast_in_dim3A_579 = vector.shape_cast %select_n3A_578 : vector<16xi32> to vector<16x1xi32>
      %gather3A_580 = vector.shape_cast %broadcast_in_dim3A_579 : vector<16x1xi32> to vector<16xi32>
      %gather3A_581 = tpu.dynamic_gather %max3A_568[%gather3A_580] in [0] : vector<16xf32>, vector<16xi32> -> vector<16xf32>
      %max3A_582 = arith.maximumf %max3A_568, %gather3A_581 : vector<16xf32>
      %xor3A_583 = arith.constant 2 : i32
      %xor3A_584 = vector.broadcast %xor3A_583 : i32 to vector<16xi32>
      %xor3A_585 = arith.xori %iota3A, %xor3A_584 : vector<16xi32>
      %lt3A_586 = arith.constant 0 : i32
      %lt3A_587 = vector.broadcast %lt3A_586 : i32 to vector<16xi32>
      %lt3A_588 = arith.cmpi slt, %xor3A_585, %lt3A_587 : vector<16xi32>
      %add3A_589 = arith.constant 16 : i32
      %add3A_590 = vector.broadcast %add3A_589 : i32 to vector<16xi32>
      %add3A_591 = arith.addi %xor3A_585, %add3A_590 : vector<16xi32>
      %select_n3A_592 = arith.select %lt3A_588, %add3A_591, %xor3A_585 : vector<16xi1>, vector<16xi32>
      %broadcast_in_dim3A_593 = vector.shape_cast %select_n3A_592 : vector<16xi32> to vector<16x1xi32>
      %gather3A_594 = vector.shape_cast %broadcast_in_dim3A_593 : vector<16x1xi32> to vector<16xi32>
      %gather3A_595 = tpu.dynamic_gather %max3A_582[%gather3A_594] in [0] : vector<16xf32>, vector<16xi32> -> vector<16xf32>
      %max3A_596 = arith.maximumf %max3A_582, %gather3A_595 : vector<16xf32>
      %xor3A_597 = arith.constant 1 : i32
      %xor3A_598 = vector.broadcast %xor3A_597 : i32 to vector<16xi32>
      %xor3A_599 = arith.xori %iota3A, %xor3A_598 : vector<16xi32>
      %lt3A_600 = arith.constant 0 : i32
      %lt3A_601 = vector.broadcast %lt3A_600 : i32 to vector<16xi32>
      %lt3A_602 = arith.cmpi slt, %xor3A_599, %lt3A_601 : vector<16xi32>
      %add3A_603 = arith.constant 16 : i32
      %add3A_604 = vector.broadcast %add3A_603 : i32 to vector<16xi32>
      %add3A_605 = arith.addi %xor3A_599, %add3A_604 : vector<16xi32>
      %select_n3A_606 = arith.select %lt3A_602, %add3A_605, %xor3A_599 : vector<16xi1>, vector<16xi32>
      %broadcast_in_dim3A_607 = vector.shape_cast %select_n3A_606 : vector<16xi32> to vector<16x1xi32>
      %gather3A_608 = vector.shape_cast %broadcast_in_dim3A_607 : vector<16x1xi32> to vector<16xi32>
      %gather3A_609 = tpu.dynamic_gather %max3A_596[%gather3A_608] in [0] : vector<16xf32>, vector<16xi32> -> vector<16xf32>
      %max3A_610 = arith.maximumf %max3A_596, %gather3A_609 : vector<16xf32>
      %eq3A_611 = arith.cmpf oeq, %get3A_554, %max3A_610 : vector<16xf32>
      %jit3A_612 = arith.constant 16 : i32
      %broadcast_in_dim3A_613 = vector.broadcast %jit3A_612 : i32 to vector<16xi32>
      %select_n3A_614 = arith.select %eq3A_611, %iota3A, %broadcast_in_dim3A_613 : vector<16xi1>, vector<16xi32>
      %xor3A_615 = arith.constant 8 : i32
      %xor3A_616 = vector.broadcast %xor3A_615 : i32 to vector<16xi32>
      %xor3A_617 = arith.xori %iota3A, %xor3A_616 : vector<16xi32>
      %lt3A_618 = arith.constant 0 : i32
      %lt3A_619 = vector.broadcast %lt3A_618 : i32 to vector<16xi32>
      %lt3A_620 = arith.cmpi slt, %xor3A_617, %lt3A_619 : vector<16xi32>
      %add3A_621 = arith.constant 16 : i32
      %add3A_622 = vector.broadcast %add3A_621 : i32 to vector<16xi32>
      %add3A_623 = arith.addi %xor3A_617, %add3A_622 : vector<16xi32>
      %select_n3A_624 = arith.select %lt3A_620, %add3A_623, %xor3A_617 : vector<16xi1>, vector<16xi32>
      %broadcast_in_dim3A_625 = vector.shape_cast %select_n3A_624 : vector<16xi32> to vector<16x1xi32>
      %gather3A_626 = vector.shape_cast %broadcast_in_dim3A_625 : vector<16x1xi32> to vector<16xi32>
      %gather3A_627 = tpu.dynamic_gather %select_n3A_614[%gather3A_626] in [0] : vector<16xi32>, vector<16xi32> -> vector<16xi32>
      %min3A_628 = arith.minsi %select_n3A_614, %gather3A_627 : vector<16xi32>
      %xor3A_629 = arith.constant 4 : i32
      %xor3A_630 = vector.broadcast %xor3A_629 : i32 to vector<16xi32>
      %xor3A_631 = arith.xori %iota3A, %xor3A_630 : vector<16xi32>
      %lt3A_632 = arith.constant 0 : i32
      %lt3A_633 = vector.broadcast %lt3A_632 : i32 to vector<16xi32>
      %lt3A_634 = arith.cmpi slt, %xor3A_631, %lt3A_633 : vector<16xi32>
      %add3A_635 = arith.constant 16 : i32
      %add3A_636 = vector.broadcast %add3A_635 : i32 to vector<16xi32>
      %add3A_637 = arith.addi %xor3A_631, %add3A_636 : vector<16xi32>
      %select_n3A_638 = arith.select %lt3A_634, %add3A_637, %xor3A_631 : vector<16xi1>, vector<16xi32>
      %broadcast_in_dim3A_639 = vector.shape_cast %select_n3A_638 : vector<16xi32> to vector<16x1xi32>
      %gather3A_640 = vector.shape_cast %broadcast_in_dim3A_639 : vector<16x1xi32> to vector<16xi32>
      %gather3A_641 = tpu.dynamic_gather %min3A_628[%gather3A_640] in [0] : vector<16xi32>, vector<16xi32> -> vector<16xi32>
      %min3A_642 = arith.minsi %min3A_628, %gather3A_641 : vector<16xi32>
      %xor3A_643 = arith.constant 2 : i32
      %xor3A_644 = vector.broadcast %xor3A_643 : i32 to vector<16xi32>
      %xor3A_645 = arith.xori %iota3A, %xor3A_644 : vector<16xi32>
      %lt3A_646 = arith.constant 0 : i32
      %lt3A_647 = vector.broadcast %lt3A_646 : i32 to vector<16xi32>
      %lt3A_648 = arith.cmpi slt, %xor3A_645, %lt3A_647 : vector<16xi32>
      %add3A_649 = arith.constant 16 : i32
      %add3A_650 = vector.broadcast %add3A_649 : i32 to vector<16xi32>
      %add3A_651 = arith.addi %xor3A_645, %add3A_650 : vector<16xi32>
      %select_n3A_652 = arith.select %lt3A_648, %add3A_651, %xor3A_645 : vector<16xi1>, vector<16xi32>
      %broadcast_in_dim3A_653 = vector.shape_cast %select_n3A_652 : vector<16xi32> to vector<16x1xi32>
      %gather3A_654 = vector.shape_cast %broadcast_in_dim3A_653 : vector<16x1xi32> to vector<16xi32>
      %gather3A_655 = tpu.dynamic_gather %min3A_642[%gather3A_654] in [0] : vector<16xi32>, vector<16xi32> -> vector<16xi32>
      %min3A_656 = arith.minsi %min3A_642, %gather3A_655 : vector<16xi32>
      %xor3A_657 = arith.constant 1 : i32
      %xor3A_658 = vector.broadcast %xor3A_657 : i32 to vector<16xi32>
      %xor3A_659 = arith.xori %iota3A, %xor3A_658 : vector<16xi32>
      %lt3A_660 = arith.constant 0 : i32
      %lt3A_661 = vector.broadcast %lt3A_660 : i32 to vector<16xi32>
      %lt3A_662 = arith.cmpi slt, %xor3A_659, %lt3A_661 : vector<16xi32>
      %add3A_663 = arith.constant 16 : i32
      %add3A_664 = vector.broadcast %add3A_663 : i32 to vector<16xi32>
      %add3A_665 = arith.addi %xor3A_659, %add3A_664 : vector<16xi32>
      %select_n3A_666 = arith.select %lt3A_662, %add3A_665, %xor3A_659 : vector<16xi1>, vector<16xi32>
      %broadcast_in_dim3A_667 = vector.shape_cast %select_n3A_666 : vector<16xi32> to vector<16x1xi32>
      %gather3A_668 = vector.shape_cast %broadcast_in_dim3A_667 : vector<16x1xi32> to vector<16xi32>
      %gather3A_669 = tpu.dynamic_gather %min3A_656[%gather3A_668] in [0] : vector<16xi32>, vector<16xi32> -> vector<16xi32>
      %min3A_670 = arith.minsi %min3A_656, %gather3A_669 : vector<16xi32>
      %get3A_671 = arith.constant 64 : index
      %get3A_672 = tpu.vector_load %arg6[%get3A_671] {strides = array<i32>} : memref<128xf32, #tpu.memory_space<vmem>>, vector<16xf32>,
      %get3A_673 = vector.shape_cast %get3A_672 : vector<16xf32> to vector<16xf32>
      %lt3A_674 = arith.constant 0 : i32
      %lt3A_675 = vector.broadcast %lt3A_674 : i32 to vector<16xi32>
      %lt3A_676 = arith.cmpi slt, %min3A_670, %lt3A_675 : vector<16xi32>
      %add3A_677 = arith.constant 16 : i32
      %add3A_678 = vector.broadcast %add3A_677 : i32 to vector<16xi32>
      %add3A_679 = arith.addi %min3A_670, %add3A_678 : vector<16xi32>
      %select_n3A_680 = arith.select %lt3A_676, %add3A_679, %min3A_670 : vector<16xi1>, vector<16xi32>
      %broadcast_in_dim3A_681 = vector.shape_cast %select_n3A_680 : vector<16xi32> to vector<16x1xi32>
      %gather3A_682 = vector.shape_cast %broadcast_in_dim3A_681 : vector<16x1xi32> to vector<16xi32>
      %gather3A_683 = tpu.dynamic_gather %get3A_673[%gather3A_682] in [0] : vector<16xf32>, vector<16xi32> -> vector<16xf32>
      %eq3A_684 = arith.constant 4 : i32
      %eq3A_685 = vector.broadcast %eq3A_684 : i32 to vector<16xi32>
      %eq3A_686 = arith.cmpi eq, %iota3A, %eq3A_685 : vector<16xi32>
      %select_n3A_687 = arith.select %eq3A_686, %gather3A_683, %select_n3A_551 : vector<16xi1>, vector<16xf32>
      %get3A_688 = arith.constant 80 : index
      %get3A_689 = tpu.vector_load %arg5[%get3A_688] {strides = array<i32>} : memref<128xf32, #tpu.memory_space<vmem>>, vector<16xf32>,
      %get3A_690 = vector.shape_cast %get3A_689 : vector<16xf32> to vector<16xf32>
      %xor3A_691 = arith.constant 8 : i32
      %xor3A_692 = vector.broadcast %xor3A_691 : i32 to vector<16xi32>
      %xor3A_693 = arith.xori %iota3A, %xor3A_692 : vector<16xi32>
      %lt3A_694 = arith.constant 0 : i32
      %lt3A_695 = vector.broadcast %lt3A_694 : i32 to vector<16xi32>
      %lt3A_696 = arith.cmpi slt, %xor3A_693, %lt3A_695 : vector<16xi32>
      %add3A_697 = arith.constant 16 : i32
      %add3A_698 = vector.broadcast %add3A_697 : i32 to vector<16xi32>
      %add3A_699 = arith.addi %xor3A_693, %add3A_698 : vector<16xi32>
      %select_n3A_700 = arith.select %lt3A_696, %add3A_699, %xor3A_693 : vector<16xi1>, vector<16xi32>
      %broadcast_in_dim3A_701 = vector.shape_cast %select_n3A_700 : vector<16xi32> to vector<16x1xi32>
      %gather3A_702 = vector.shape_cast %broadcast_in_dim3A_701 : vector<16x1xi32> to vector<16xi32>
      %gather3A_703 = tpu.dynamic_gather %get3A_690[%gather3A_702] in [0] : vector<16xf32>, vector<16xi32> -> vector<16xf32>
      %max3A_704 = arith.maximumf %get3A_690, %gather3A_703 : vector<16xf32>
      %xor3A_705 = arith.constant 4 : i32
      %xor3A_706 = vector.broadcast %xor3A_705 : i32 to vector<16xi32>
      %xor3A_707 = arith.xori %iota3A, %xor3A_706 : vector<16xi32>
      %lt3A_708 = arith.constant 0 : i32
      %lt3A_709 = vector.broadcast %lt3A_708 : i32 to vector<16xi32>
      %lt3A_710 = arith.cmpi slt, %xor3A_707, %lt3A_709 : vector<16xi32>
      %add3A_711 = arith.constant 16 : i32
      %add3A_712 = vector.broadcast %add3A_711 : i32 to vector<16xi32>
      %add3A_713 = arith.addi %xor3A_707, %add3A_712 : vector<16xi32>
      %select_n3A_714 = arith.select %lt3A_710, %add3A_713, %xor3A_707 : vector<16xi1>, vector<16xi32>
      %broadcast_in_dim3A_715 = vector.shape_cast %select_n3A_714 : vector<16xi32> to vector<16x1xi32>
      %gather3A_716 = vector.shape_cast %broadcast_in_dim3A_715 : vector<16x1xi32> to vector<16xi32>
      %gather3A_717 = tpu.dynamic_gather %max3A_704[%gather3A_716] in [0] : vector<16xf32>, vector<16xi32> -> vector<16xf32>
      %max3A_718 = arith.maximumf %max3A_704, %gather3A_717 : vector<16xf32>
      %xor3A_719 = arith.constant 2 : i32
      %xor3A_720 = vector.broadcast %xor3A_719 : i32 to vector<16xi32>
      %xor3A_721 = arith.xori %iota3A, %xor3A_720 : vector<16xi32>
      %lt3A_722 = arith.constant 0 : i32
      %lt3A_723 = vector.broadcast %lt3A_722 : i32 to vector<16xi32>
      %lt3A_724 = arith.cmpi slt, %xor3A_721, %lt3A_723 : vector<16xi32>
      %add3A_725 = arith.constant 16 : i32
      %add3A_726 = vector.broadcast %add3A_725 : i32 to vector<16xi32>
      %add3A_727 = arith.addi %xor3A_721, %add3A_726 : vector<16xi32>
      %select_n3A_728 = arith.select %lt3A_724, %add3A_727, %xor3A_721 : vector<16xi1>, vector<16xi32>
      %broadcast_in_dim3A_729 = vector.shape_cast %select_n3A_728 : vector<16xi32> to vector<16x1xi32>
      %gather3A_730 = vector.shape_cast %broadcast_in_dim3A_729 : vector<16x1xi32> to vector<16xi32>
      %gather3A_731 = tpu.dynamic_gather %max3A_718[%gather3A_730] in [0] : vector<16xf32>, vector<16xi32> -> vector<16xf32>
      %max3A_732 = arith.maximumf %max3A_718, %gather3A_731 : vector<16xf32>
      %xor3A_733 = arith.constant 1 : i32
      %xor3A_734 = vector.broadcast %xor3A_733 : i32 to vector<16xi32>
      %xor3A_735 = arith.xori %iota3A, %xor3A_734 : vector<16xi32>
      %lt3A_736 = arith.constant 0 : i32
      %lt3A_737 = vector.broadcast %lt3A_736 : i32 to vector<16xi32>
      %lt3A_738 = arith.cmpi slt, %xor3A_735, %lt3A_737 : vector<16xi32>
      %add3A_739 = arith.constant 16 : i32
      %add3A_740 = vector.broadcast %add3A_739 : i32 to vector<16xi32>
      %add3A_741 = arith.addi %xor3A_735, %add3A_740 : vector<16xi32>
      %select_n3A_742 = arith.select %lt3A_738, %add3A_741, %xor3A_735 : vector<16xi1>, vector<16xi32>
      %broadcast_in_dim3A_743 = vector.shape_cast %select_n3A_742 : vector<16xi32> to vector<16x1xi32>
      %gather3A_744 = vector.shape_cast %broadcast_in_dim3A_743 : vector<16x1xi32> to vector<16xi32>
      %gather3A_745 = tpu.dynamic_gather %max3A_732[%gather3A_744] in [0] : vector<16xf32>, vector<16xi32> -> vector<16xf32>
      %max3A_746 = arith.maximumf %max3A_732, %gather3A_745 : vector<16xf32>
      %eq3A_747 = arith.cmpf oeq, %get3A_690, %max3A_746 : vector<16xf32>
      %jit3A_748 = arith.constant 16 : i32
      %broadcast_in_dim3A_749 = vector.broadcast %jit3A_748 : i32 to vector<16xi32>
      %select_n3A_750 = arith.select %eq3A_747, %iota3A, %broadcast_in_dim3A_749 : vector<16xi1>, vector<16xi32>
      %xor3A_751 = arith.constant 8 : i32
      %xor3A_752 = vector.broadcast %xor3A_751 : i32 to vector<16xi32>
      %xor3A_753 = arith.xori %iota3A, %xor3A_752 : vector<16xi32>
      %lt3A_754 = arith.constant 0 : i32
      %lt3A_755 = vector.broadcast %lt3A_754 : i32 to vector<16xi32>
      %lt3A_756 = arith.cmpi slt, %xor3A_753, %lt3A_755 : vector<16xi32>
      %add3A_757 = arith.constant 16 : i32
      %add3A_758 = vector.broadcast %add3A_757 : i32 to vector<16xi32>
      %add3A_759 = arith.addi %xor3A_753, %add3A_758 : vector<16xi32>
      %select_n3A_760 = arith.select %lt3A_756, %add3A_759, %xor3A_753 : vector<16xi1>, vector<16xi32>
      %broadcast_in_dim3A_761 = vector.shape_cast %select_n3A_760 : vector<16xi32> to vector<16x1xi32>
      %gather3A_762 = vector.shape_cast %broadcast_in_dim3A_761 : vector<16x1xi32> to vector<16xi32>
      %gather3A_763 = tpu.dynamic_gather %select_n3A_750[%gather3A_762] in [0] : vector<16xi32>, vector<16xi32> -> vector<16xi32>
      %min3A_764 = arith.minsi %select_n3A_750, %gather3A_763 : vector<16xi32>
      %xor3A_765 = arith.constant 4 : i32
      %xor3A_766 = vector.broadcast %xor3A_765 : i32 to vector<16xi32>
      %xor3A_767 = arith.xori %iota3A, %xor3A_766 : vector<16xi32>
      %lt3A_768 = arith.constant 0 : i32
      %lt3A_769 = vector.broadcast %lt3A_768 : i32 to vector<16xi32>
      %lt3A_770 = arith.cmpi slt, %xor3A_767, %lt3A_769 : vector<16xi32>
      %add3A_771 = arith.constant 16 : i32
      %add3A_772 = vector.broadcast %add3A_771 : i32 to vector<16xi32>
      %add3A_773 = arith.addi %xor3A_767, %add3A_772 : vector<16xi32>
      %select_n3A_774 = arith.select %lt3A_770, %add3A_773, %xor3A_767 : vector<16xi1>, vector<16xi32>
      %broadcast_in_dim3A_775 = vector.shape_cast %select_n3A_774 : vector<16xi32> to vector<16x1xi32>
      %gather3A_776 = vector.shape_cast %broadcast_in_dim3A_775 : vector<16x1xi32> to vector<16xi32>
      %gather3A_777 = tpu.dynamic_gather %min3A_764[%gather3A_776] in [0] : vector<16xi32>, vector<16xi32> -> vector<16xi32>
      %min3A_778 = arith.minsi %min3A_764, %gather3A_777 : vector<16xi32>
      %xor3A_779 = arith.constant 2 : i32
      %xor3A_780 = vector.broadcast %xor3A_779 : i32 to vector<16xi32>
      %xor3A_781 = arith.xori %iota3A, %xor3A_780 : vector<16xi32>
      %lt3A_782 = arith.constant 0 : i32
      %lt3A_783 = vector.broadcast %lt3A_782 : i32 to vector<16xi32>
      %lt3A_784 = arith.cmpi slt, %xor3A_781, %lt3A_783 : vector<16xi32>
      %add3A_785 = arith.constant 16 : i32
      %add3A_786 = vector.broadcast %add3A_785 : i32 to vector<16xi32>
      %add3A_787 = arith.addi %xor3A_781, %add3A_786 : vector<16xi32>
      %select_n3A_788 = arith.select %lt3A_784, %add3A_787, %xor3A_781 : vector<16xi1>, vector<16xi32>
      %broadcast_in_dim3A_789 = vector.shape_cast %select_n3A_788 : vector<16xi32> to vector<16x1xi32>
      %gather3A_790 = vector.shape_cast %broadcast_in_dim3A_789 : vector<16x1xi32> to vector<16xi32>
      %gather3A_791 = tpu.dynamic_gather %min3A_778[%gather3A_790] in [0] : vector<16xi32>, vector<16xi32> -> vector<16xi32>
      %min3A_792 = arith.minsi %min3A_778, %gather3A_791 : vector<16xi32>
      %xor3A_793 = arith.constant 1 : i32
      %xor3A_794 = vector.broadcast %xor3A_793 : i32 to vector<16xi32>
      %xor3A_795 = arith.xori %iota3A, %xor3A_794 : vector<16xi32>
      %lt3A_796 = arith.constant 0 : i32
      %lt3A_797 = vector.broadcast %lt3A_796 : i32 to vector<16xi32>
      %lt3A_798 = arith.cmpi slt, %xor3A_795, %lt3A_797 : vector<16xi32>
      %add3A_799 = arith.constant 16 : i32
      %add3A_800 = vector.broadcast %add3A_799 : i32 to vector<16xi32>
      %add3A_801 = arith.addi %xor3A_795, %add3A_800 : vector<16xi32>
      %select_n3A_802 = arith.select %lt3A_798, %add3A_801, %xor3A_795 : vector<16xi1>, vector<16xi32>
      %broadcast_in_dim3A_803 = vector.shape_cast %select_n3A_802 : vector<16xi32> to vector<16x1xi32>
      %gather3A_804 = vector.shape_cast %broadcast_in_dim3A_803 : vector<16x1xi32> to vector<16xi32>
      %gather3A_805 = tpu.dynamic_gather %min3A_792[%gather3A_804] in [0] : vector<16xi32>, vector<16xi32> -> vector<16xi32>
      %min3A_806 = arith.minsi %min3A_792, %gather3A_805 : vector<16xi32>
      %get3A_807 = arith.constant 80 : index
      %get3A_808 = tpu.vector_load %arg6[%get3A_807] {strides = array<i32>} : memref<128xf32, #tpu.memory_space<vmem>>, vector<16xf32>,
      %get3A_809 = vector.shape_cast %get3A_808 : vector<16xf32> to vector<16xf32>
      %lt3A_810 = arith.constant 0 : i32
      %lt3A_811 = vector.broadcast %lt3A_810 : i32 to vector<16xi32>
      %lt3A_812 = arith.cmpi slt, %min3A_806, %lt3A_811 : vector<16xi32>
      %add3A_813 = arith.constant 16 : i32
      %add3A_814 = vector.broadcast %add3A_813 : i32 to vector<16xi32>
      %add3A_815 = arith.addi %min3A_806, %add3A_814 : vector<16xi32>
      %select_n3A_816 = arith.select %lt3A_812, %add3A_815, %min3A_806 : vector<16xi1>, vector<16xi32>
      %broadcast_in_dim3A_817 = vector.shape_cast %select_n3A_816 : vector<16xi32> to vector<16x1xi32>
      %gather3A_818 = vector.shape_cast %broadcast_in_dim3A_817 : vector<16x1xi32> to vector<16xi32>
      %gather3A_819 = tpu.dynamic_gather %get3A_809[%gather3A_818] in [0] : vector<16xf32>, vector<16xi32> -> vector<16xf32>
      %eq3A_820 = arith.constant 5 : i32
      %eq3A_821 = vector.broadcast %eq3A_820 : i32 to vector<16xi32>
      %eq3A_822 = arith.cmpi eq, %iota3A, %eq3A_821 : vector<16xi32>
      %select_n3A_823 = arith.select %eq3A_822, %gather3A_819, %select_n3A_687 : vector<16xi1>, vector<16xf32>
      %get3A_824 = arith.constant 96 : index
      %get3A_825 = tpu.vector_load %arg5[%get3A_824] {strides = array<i32>} : memref<128xf32, #tpu.memory_space<vmem>>, vector<16xf32>,
      %get3A_826 = vector.shape_cast %get3A_825 : vector<16xf32> to vector<16xf32>
      %xor3A_827 = arith.constant 8 : i32
      %xor3A_828 = vector.broadcast %xor3A_827 : i32 to vector<16xi32>
      %xor3A_829 = arith.xori %iota3A, %xor3A_828 : vector<16xi32>
      %lt3A_830 = arith.constant 0 : i32
      %lt3A_831 = vector.broadcast %lt3A_830 : i32 to vector<16xi32>
      %lt3A_832 = arith.cmpi slt, %xor3A_829, %lt3A_831 : vector<16xi32>
      %add3A_833 = arith.constant 16 : i32
      %add3A_834 = vector.broadcast %add3A_833 : i32 to vector<16xi32>
      %add3A_835 = arith.addi %xor3A_829, %add3A_834 : vector<16xi32>
      %select_n3A_836 = arith.select %lt3A_832, %add3A_835, %xor3A_829 : vector<16xi1>, vector<16xi32>
      %broadcast_in_dim3A_837 = vector.shape_cast %select_n3A_836 : vector<16xi32> to vector<16x1xi32>
      %gather3A_838 = vector.shape_cast %broadcast_in_dim3A_837 : vector<16x1xi32> to vector<16xi32>
      %gather3A_839 = tpu.dynamic_gather %get3A_826[%gather3A_838] in [0] : vector<16xf32>, vector<16xi32> -> vector<16xf32>
      %max3A_840 = arith.maximumf %get3A_826, %gather3A_839 : vector<16xf32>
      %xor3A_841 = arith.constant 4 : i32
      %xor3A_842 = vector.broadcast %xor3A_841 : i32 to vector<16xi32>
      %xor3A_843 = arith.xori %iota3A, %xor3A_842 : vector<16xi32>
      %lt3A_844 = arith.constant 0 : i32
      %lt3A_845 = vector.broadcast %lt3A_844 : i32 to vector<16xi32>
      %lt3A_846 = arith.cmpi slt, %xor3A_843, %lt3A_845 : vector<16xi32>
      %add3A_847 = arith.constant 16 : i32
      %add3A_848 = vector.broadcast %add3A_847 : i32 to vector<16xi32>
      %add3A_849 = arith.addi %xor3A_843, %add3A_848 : vector<16xi32>
      %select_n3A_850 = arith.select %lt3A_846, %add3A_849, %xor3A_843 : vector<16xi1>, vector<16xi32>
      %broadcast_in_dim3A_851 = vector.shape_cast %select_n3A_850 : vector<16xi32> to vector<16x1xi32>
      %gather3A_852 = vector.shape_cast %broadcast_in_dim3A_851 : vector<16x1xi32> to vector<16xi32>
      %gather3A_853 = tpu.dynamic_gather %max3A_840[%gather3A_852] in [0] : vector<16xf32>, vector<16xi32> -> vector<16xf32>
      %max3A_854 = arith.maximumf %max3A_840, %gather3A_853 : vector<16xf32>
      %xor3A_855 = arith.constant 2 : i32
      %xor3A_856 = vector.broadcast %xor3A_855 : i32 to vector<16xi32>
      %xor3A_857 = arith.xori %iota3A, %xor3A_856 : vector<16xi32>
      %lt3A_858 = arith.constant 0 : i32
      %lt3A_859 = vector.broadcast %lt3A_858 : i32 to vector<16xi32>
      %lt3A_860 = arith.cmpi slt, %xor3A_857, %lt3A_859 : vector<16xi32>
      %add3A_861 = arith.constant 16 : i32
      %add3A_862 = vector.broadcast %add3A_861 : i32 to vector<16xi32>
      %add3A_863 = arith.addi %xor3A_857, %add3A_862 : vector<16xi32>
      %select_n3A_864 = arith.select %lt3A_860, %add3A_863, %xor3A_857 : vector<16xi1>, vector<16xi32>
      %broadcast_in_dim3A_865 = vector.shape_cast %select_n3A_864 : vector<16xi32> to vector<16x1xi32>
      %gather3A_866 = vector.shape_cast %broadcast_in_dim3A_865 : vector<16x1xi32> to vector<16xi32>
      %gather3A_867 = tpu.dynamic_gather %max3A_854[%gather3A_866] in [0] : vector<16xf32>, vector<16xi32> -> vector<16xf32>
      %max3A_868 = arith.maximumf %max3A_854, %gather3A_867 : vector<16xf32>
      %xor3A_869 = arith.constant 1 : i32
      %xor3A_870 = vector.broadcast %xor3A_869 : i32 to vector<16xi32>
      %xor3A_871 = arith.xori %iota3A, %xor3A_870 : vector<16xi32>
      %lt3A_872 = arith.constant 0 : i32
      %lt3A_873 = vector.broadcast %lt3A_872 : i32 to vector<16xi32>
      %lt3A_874 = arith.cmpi slt, %xor3A_871, %lt3A_873 : vector<16xi32>
      %add3A_875 = arith.constant 16 : i32
      %add3A_876 = vector.broadcast %add3A_875 : i32 to vector<16xi32>
      %add3A_877 = arith.addi %xor3A_871, %add3A_876 : vector<16xi32>
      %select_n3A_878 = arith.select %lt3A_874, %add3A_877, %xor3A_871 : vector<16xi1>, vector<16xi32>
      %broadcast_in_dim3A_879 = vector.shape_cast %select_n3A_878 : vector<16xi32> to vector<16x1xi32>
      %gather3A_880 = vector.shape_cast %broadcast_in_dim3A_879 : vector<16x1xi32> to vector<16xi32>
      %gather3A_881 = tpu.dynamic_gather %max3A_868[%gather3A_880] in [0] : vector<16xf32>, vector<16xi32> -> vector<16xf32>
      %max3A_882 = arith.maximumf %max3A_868, %gather3A_881 : vector<16xf32>
      %eq3A_883 = arith.cmpf oeq, %get3A_826, %max3A_882 : vector<16xf32>
      %jit3A_884 = arith.constant 16 : i32
      %broadcast_in_dim3A_885 = vector.broadcast %jit3A_884 : i32 to vector<16xi32>
      %select_n3A_886 = arith.select %eq3A_883, %iota3A, %broadcast_in_dim3A_885 : vector<16xi1>, vector<16xi32>
      %xor3A_887 = arith.constant 8 : i32
      %xor3A_888 = vector.broadcast %xor3A_887 : i32 to vector<16xi32>
      %xor3A_889 = arith.xori %iota3A, %xor3A_888 : vector<16xi32>
      %lt3A_890 = arith.constant 0 : i32
      %lt3A_891 = vector.broadcast %lt3A_890 : i32 to vector<16xi32>
      %lt3A_892 = arith.cmpi slt, %xor3A_889, %lt3A_891 : vector<16xi32>
      %add3A_893 = arith.constant 16 : i32
      %add3A_894 = vector.broadcast %add3A_893 : i32 to vector<16xi32>
      %add3A_895 = arith.addi %xor3A_889, %add3A_894 : vector<16xi32>
      %select_n3A_896 = arith.select %lt3A_892, %add3A_895, %xor3A_889 : vector<16xi1>, vector<16xi32>
      %broadcast_in_dim3A_897 = vector.shape_cast %select_n3A_896 : vector<16xi32> to vector<16x1xi32>
      %gather3A_898 = vector.shape_cast %broadcast_in_dim3A_897 : vector<16x1xi32> to vector<16xi32>
      %gather3A_899 = tpu.dynamic_gather %select_n3A_886[%gather3A_898] in [0] : vector<16xi32>, vector<16xi32> -> vector<16xi32>
      %min3A_900 = arith.minsi %select_n3A_886, %gather3A_899 : vector<16xi32>
      %xor3A_901 = arith.constant 4 : i32
      %xor3A_902 = vector.broadcast %xor3A_901 : i32 to vector<16xi32>
      %xor3A_903 = arith.xori %iota3A, %xor3A_902 : vector<16xi32>
      %lt3A_904 = arith.constant 0 : i32
      %lt3A_905 = vector.broadcast %lt3A_904 : i32 to vector<16xi32>
      %lt3A_906 = arith.cmpi slt, %xor3A_903, %lt3A_905 : vector<16xi32>
      %add3A_907 = arith.constant 16 : i32
      %add3A_908 = vector.broadcast %add3A_907 : i32 to vector<16xi32>
      %add3A_909 = arith.addi %xor3A_903, %add3A_908 : vector<16xi32>
      %select_n3A_910 = arith.select %lt3A_906, %add3A_909, %xor3A_903 : vector<16xi1>, vector<16xi32>
      %broadcast_in_dim3A_911 = vector.shape_cast %select_n3A_910 : vector<16xi32> to vector<16x1xi32>
      %gather3A_912 = vector.shape_cast %broadcast_in_dim3A_911 : vector<16x1xi32> to vector<16xi32>
      %gather3A_913 = tpu.dynamic_gather %min3A_900[%gather3A_912] in [0] : vector<16xi32>, vector<16xi32> -> vector<16xi32>
      %min3A_914 = arith.minsi %min3A_900, %gather3A_913 : vector<16xi32>
      %xor3A_915 = arith.constant 2 : i32
      %xor3A_916 = vector.broadcast %xor3A_915 : i32 to vector<16xi32>
      %xor3A_917 = arith.xori %iota3A, %xor3A_916 : vector<16xi32>
      %lt3A_918 = arith.constant 0 : i32
      %lt3A_919 = vector.broadcast %lt3A_918 : i32 to vector<16xi32>
      %lt3A_920 = arith.cmpi slt, %xor3A_917, %lt3A_919 : vector<16xi32>
      %add3A_921 = arith.constant 16 : i32
      %add3A_922 = vector.broadcast %add3A_921 : i32 to vector<16xi32>
      %add3A_923 = arith.addi %xor3A_917, %add3A_922 : vector<16xi32>
      %select_n3A_924 = arith.select %lt3A_920, %add3A_923, %xor3A_917 : vector<16xi1>, vector<16xi32>
      %broadcast_in_dim3A_925 = vector.shape_cast %select_n3A_924 : vector<16xi32> to vector<16x1xi32>
      %gather3A_926 = vector.shape_cast %broadcast_in_dim3A_925 : vector<16x1xi32> to vector<16xi32>
      %gather3A_927 = tpu.dynamic_gather %min3A_914[%gather3A_926] in [0] : vector<16xi32>, vector<16xi32> -> vector<16xi32>
      %min3A_928 = arith.minsi %min3A_914, %gather3A_927 : vector<16xi32>
      %xor3A_929 = arith.constant 1 : i32
      %xor3A_930 = vector.broadcast %xor3A_929 : i32 to vector<16xi32>
      %xor3A_931 = arith.xori %iota3A, %xor3A_930 : vector<16xi32>
      %lt3A_932 = arith.constant 0 : i32
      %lt3A_933 = vector.broadcast %lt3A_932 : i32 to vector<16xi32>
      %lt3A_934 = arith.cmpi slt, %xor3A_931, %lt3A_933 : vector<16xi32>
      %add3A_935 = arith.constant 16 : i32
      %add3A_936 = vector.broadcast %add3A_935 : i32 to vector<16xi32>
      %add3A_937 = arith.addi %xor3A_931, %add3A_936 : vector<16xi32>
      %select_n3A_938 = arith.select %lt3A_934, %add3A_937, %xor3A_931 : vector<16xi1>, vector<16xi32>
      %broadcast_in_dim3A_939 = vector.shape_cast %select_n3A_938 : vector<16xi32> to vector<16x1xi32>
      %gather3A_940 = vector.shape_cast %broadcast_in_dim3A_939 : vector<16x1xi32> to vector<16xi32>
      %gather3A_941 = tpu.dynamic_gather %min3A_928[%gather3A_940] in [0] : vector<16xi32>, vector<16xi32> -> vector<16xi32>
      %min3A_942 = arith.minsi %min3A_928, %gather3A_941 : vector<16xi32>
      %get3A_943 = arith.constant 96 : index
      %get3A_944 = tpu.vector_load %arg6[%get3A_943] {strides = array<i32>} : memref<128xf32, #tpu.memory_space<vmem>>, vector<16xf32>,
      %get3A_945 = vector.shape_cast %get3A_944 : vector<16xf32> to vector<16xf32>
      %lt3A_946 = arith.constant 0 : i32
      %lt3A_947 = vector.broadcast %lt3A_946 : i32 to vector<16xi32>
      %lt3A_948 = arith.cmpi slt, %min3A_942, %lt3A_947 : vector<16xi32>
      %add3A_949 = arith.constant 16 : i32
      %add3A_950 = vector.broadcast %add3A_949 : i32 to vector<16xi32>
      %add3A_951 = arith.addi %min3A_942, %add3A_950 : vector<16xi32>
      %select_n3A_952 = arith.select %lt3A_948, %add3A_951, %min3A_942 : vector<16xi1>, vector<16xi32>
      %broadcast_in_dim3A_953 = vector.shape_cast %select_n3A_952 : vector<16xi32> to vector<16x1xi32>
      %gather3A_954 = vector.shape_cast %broadcast_in_dim3A_953 : vector<16x1xi32> to vector<16xi32>
      %gather3A_955 = tpu.dynamic_gather %get3A_945[%gather3A_954] in [0] : vector<16xf32>, vector<16xi32> -> vector<16xf32>
      %eq3A_956 = arith.constant 6 : i32
      %eq3A_957 = vector.broadcast %eq3A_956 : i32 to vector<16xi32>
      %eq3A_958 = arith.cmpi eq, %iota3A, %eq3A_957 : vector<16xi32>
      %select_n3A_959 = arith.select %eq3A_958, %gather3A_955, %select_n3A_823 : vector<16xi1>, vector<16xf32>
      %get3A_960 = arith.constant 112 : index
      %get3A_961 = tpu.vector_load %arg5[%get3A_960] {strides = array<i32>} : memref<128xf32, #tpu.memory_space<vmem>>, vector<16xf32>,
      %get3A_962 = vector.shape_cast %get3A_961 : vector<16xf32> to vector<16xf32>
      %xor3A_963 = arith.constant 8 : i32
      %xor3A_964 = vector.broadcast %xor3A_963 : i32 to vector<16xi32>
      %xor3A_965 = arith.xori %iota3A, %xor3A_964 : vector<16xi32>
      %lt3A_966 = arith.constant 0 : i32
      %lt3A_967 = vector.broadcast %lt3A_966 : i32 to vector<16xi32>
      %lt3A_968 = arith.cmpi slt, %xor3A_965, %lt3A_967 : vector<16xi32>
      %add3A_969 = arith.constant 16 : i32
      %add3A_970 = vector.broadcast %add3A_969 : i32 to vector<16xi32>
      %add3A_971 = arith.addi %xor3A_965, %add3A_970 : vector<16xi32>
      %select_n3A_972 = arith.select %lt3A_968, %add3A_971, %xor3A_965 : vector<16xi1>, vector<16xi32>
      %broadcast_in_dim3A_973 = vector.shape_cast %select_n3A_972 : vector<16xi32> to vector<16x1xi32>
      %gather3A_974 = vector.shape_cast %broadcast_in_dim3A_973 : vector<16x1xi32> to vector<16xi32>
      %gather3A_975 = tpu.dynamic_gather %get3A_962[%gather3A_974] in [0] : vector<16xf32>, vector<16xi32> -> vector<16xf32>
      %max3A_976 = arith.maximumf %get3A_962, %gather3A_975 : vector<16xf32>
      %xor3A_977 = arith.constant 4 : i32
      %xor3A_978 = vector.broadcast %xor3A_977 : i32 to vector<16xi32>
      %xor3A_979 = arith.xori %iota3A, %xor3A_978 : vector<16xi32>
      %lt3A_980 = arith.constant 0 : i32
      %lt3A_981 = vector.broadcast %lt3A_980 : i32 to vector<16xi32>
      %lt3A_982 = arith.cmpi slt, %xor3A_979, %lt3A_981 : vector<16xi32>
      %add3A_983 = arith.constant 16 : i32
      %add3A_984 = vector.broadcast %add3A_983 : i32 to vector<16xi32>
      %add3A_985 = arith.addi %xor3A_979, %add3A_984 : vector<16xi32>
      %select_n3A_986 = arith.select %lt3A_982, %add3A_985, %xor3A_979 : vector<16xi1>, vector<16xi32>
      %broadcast_in_dim3A_987 = vector.shape_cast %select_n3A_986 : vector<16xi32> to vector<16x1xi32>
      %gather3A_988 = vector.shape_cast %broadcast_in_dim3A_987 : vector<16x1xi32> to vector<16xi32>
      %gather3A_989 = tpu.dynamic_gather %max3A_976[%gather3A_988] in [0] : vector<16xf32>, vector<16xi32> -> vector<16xf32>
      %max3A_990 = arith.maximumf %max3A_976, %gather3A_989 : vector<16xf32>
      %xor3A_991 = arith.constant 2 : i32
      %xor3A_992 = vector.broadcast %xor3A_991 : i32 to vector<16xi32>
      %xor3A_993 = arith.xori %iota3A, %xor3A_992 : vector<16xi32>
      %lt3A_994 = arith.constant 0 : i32
      %lt3A_995 = vector.broadcast %lt3A_994 : i32 to vector<16xi32>
      %lt3A_996 = arith.cmpi slt, %xor3A_993, %lt3A_995 : vector<16xi32>
      %add3A_997 = arith.constant 16 : i32
      %add3A_998 = vector.broadcast %add3A_997 : i32 to vector<16xi32>
      %add3A_999 = arith.addi %xor3A_993, %add3A_998 : vector<16xi32>
      %select_n3A_1000 = arith.select %lt3A_996, %add3A_999, %xor3A_993 : vector<16xi1>, vector<16xi32>
      %broadcast_in_dim3A_1001 = vector.shape_cast %select_n3A_1000 : vector<16xi32> to vector<16x1xi32>
      %gather3A_1002 = vector.shape_cast %broadcast_in_dim3A_1001 : vector<16x1xi32> to vector<16xi32>
      %gather3A_1003 = tpu.dynamic_gather %max3A_990[%gather3A_1002] in [0] : vector<16xf32>, vector<16xi32> -> vector<16xf32>
      %max3A_1004 = arith.maximumf %max3A_990, %gather3A_1003 : vector<16xf32>
      %xor3A_1005 = arith.constant 1 : i32
      %xor3A_1006 = vector.broadcast %xor3A_1005 : i32 to vector<16xi32>
      %xor3A_1007 = arith.xori %iota3A, %xor3A_1006 : vector<16xi32>
      %lt3A_1008 = arith.constant 0 : i32
      %lt3A_1009 = vector.broadcast %lt3A_1008 : i32 to vector<16xi32>
      %lt3A_1010 = arith.cmpi slt, %xor3A_1007, %lt3A_1009 : vector<16xi32>
      %add3A_1011 = arith.constant 16 : i32
      %add3A_1012 = vector.broadcast %add3A_1011 : i32 to vector<16xi32>
      %add3A_1013 = arith.addi %xor3A_1007, %add3A_1012 : vector<16xi32>
      %select_n3A_1014 = arith.select %lt3A_1010, %add3A_1013, %xor3A_1007 : vector<16xi1>, vector<16xi32>
      %broadcast_in_dim3A_1015 = vector.shape_cast %select_n3A_1014 : vector<16xi32> to vector<16x1xi32>
      %gather3A_1016 = vector.shape_cast %broadcast_in_dim3A_1015 : vector<16x1xi32> to vector<16xi32>
      %gather3A_1017 = tpu.dynamic_gather %max3A_1004[%gather3A_1016] in [0] : vector<16xf32>, vector<16xi32> -> vector<16xf32>
      %max3A_1018 = arith.maximumf %max3A_1004, %gather3A_1017 : vector<16xf32>
      %eq3A_1019 = arith.cmpf oeq, %get3A_962, %max3A_1018 : vector<16xf32>
      %jit3A_1020 = arith.constant 16 : i32
      %broadcast_in_dim3A_1021 = vector.broadcast %jit3A_1020 : i32 to vector<16xi32>
      %select_n3A_1022 = arith.select %eq3A_1019, %iota3A, %broadcast_in_dim3A_1021 : vector<16xi1>, vector<16xi32>
      %xor3A_1023 = arith.constant 8 : i32
      %xor3A_1024 = vector.broadcast %xor3A_1023 : i32 to vector<16xi32>
      %xor3A_1025 = arith.xori %iota3A, %xor3A_1024 : vector<16xi32>
      %lt3A_1026 = arith.constant 0 : i32
      %lt3A_1027 = vector.broadcast %lt3A_1026 : i32 to vector<16xi32>
      %lt3A_1028 = arith.cmpi slt, %xor3A_1025, %lt3A_1027 : vector<16xi32>
      %add3A_1029 = arith.constant 16 : i32
      %add3A_1030 = vector.broadcast %add3A_1029 : i32 to vector<16xi32>
      %add3A_1031 = arith.addi %xor3A_1025, %add3A_1030 : vector<16xi32>
      %select_n3A_1032 = arith.select %lt3A_1028, %add3A_1031, %xor3A_1025 : vector<16xi1>, vector<16xi32>
      %broadcast_in_dim3A_1033 = vector.shape_cast %select_n3A_1032 : vector<16xi32> to vector<16x1xi32>
      %gather3A_1034 = vector.shape_cast %broadcast_in_dim3A_1033 : vector<16x1xi32> to vector<16xi32>
      %gather3A_1035 = tpu.dynamic_gather %select_n3A_1022[%gather3A_1034] in [0] : vector<16xi32>, vector<16xi32> -> vector<16xi32>
      %min3A_1036 = arith.minsi %select_n3A_1022, %gather3A_1035 : vector<16xi32>
      %xor3A_1037 = arith.constant 4 : i32
      %xor3A_1038 = vector.broadcast %xor3A_1037 : i32 to vector<16xi32>
      %xor3A_1039 = arith.xori %iota3A, %xor3A_1038 : vector<16xi32>
      %lt3A_1040 = arith.constant 0 : i32
      %lt3A_1041 = vector.broadcast %lt3A_1040 : i32 to vector<16xi32>
      %lt3A_1042 = arith.cmpi slt, %xor3A_1039, %lt3A_1041 : vector<16xi32>
      %add3A_1043 = arith.constant 16 : i32
      %add3A_1044 = vector.broadcast %add3A_1043 : i32 to vector<16xi32>
      %add3A_1045 = arith.addi %xor3A_1039, %add3A_1044 : vector<16xi32>
      %select_n3A_1046 = arith.select %lt3A_1042, %add3A_1045, %xor3A_1039 : vector<16xi1>, vector<16xi32>
      %broadcast_in_dim3A_1047 = vector.shape_cast %select_n3A_1046 : vector<16xi32> to vector<16x1xi32>
      %gather3A_1048 = vector.shape_cast %broadcast_in_dim3A_1047 : vector<16x1xi32> to vector<16xi32>
      %gather3A_1049 = tpu.dynamic_gather %min3A_1036[%gather3A_1048] in [0] : vector<16xi32>, vector<16xi32> -> vector<16xi32>
      %min3A_1050 = arith.minsi %min3A_1036, %gather3A_1049 : vector<16xi32>
      %xor3A_1051 = arith.constant 2 : i32
      %xor3A_1052 = vector.broadcast %xor3A_1051 : i32 to vector<16xi32>
      %xor3A_1053 = arith.xori %iota3A, %xor3A_1052 : vector<16xi32>
      %lt3A_1054 = arith.constant 0 : i32
      %lt3A_1055 = vector.broadcast %lt3A_1054 : i32 to vector<16xi32>
      %lt3A_1056 = arith.cmpi slt, %xor3A_1053, %lt3A_1055 : vector<16xi32>
      %add3A_1057 = arith.constant 16 : i32
      %add3A_1058 = vector.broadcast %add3A_1057 : i32 to vector<16xi32>
      %add3A_1059 = arith.addi %xor3A_1053, %add3A_1058 : vector<16xi32>
      %select_n3A_1060 = arith.select %lt3A_1056, %add3A_1059, %xor3A_1053 : vector<16xi1>, vector<16xi32>
      %broadcast_in_dim3A_1061 = vector.shape_cast %select_n3A_1060 : vector<16xi32> to vector<16x1xi32>
      %gather3A_1062 = vector.shape_cast %broadcast_in_dim3A_1061 : vector<16x1xi32> to vector<16xi32>
      %gather3A_1063 = tpu.dynamic_gather %min3A_1050[%gather3A_1062] in [0] : vector<16xi32>, vector<16xi32> -> vector<16xi32>
      %min3A_1064 = arith.minsi %min3A_1050, %gather3A_1063 : vector<16xi32>
      %xor3A_1065 = arith.constant 1 : i32
      %xor3A_1066 = vector.broadcast %xor3A_1065 : i32 to vector<16xi32>
      %xor3A_1067 = arith.xori %iota3A, %xor3A_1066 : vector<16xi32>
      %lt3A_1068 = arith.constant 0 : i32
      %lt3A_1069 = vector.broadcast %lt3A_1068 : i32 to vector<16xi32>
      %lt3A_1070 = arith.cmpi slt, %xor3A_1067, %lt3A_1069 : vector<16xi32>
      %add3A_1071 = arith.constant 16 : i32
      %add3A_1072 = vector.broadcast %add3A_1071 : i32 to vector<16xi32>
      %add3A_1073 = arith.addi %xor3A_1067, %add3A_1072 : vector<16xi32>
      %select_n3A_1074 = arith.select %lt3A_1070, %add3A_1073, %xor3A_1067 : vector<16xi1>, vector<16xi32>
      %broadcast_in_dim3A_1075 = vector.shape_cast %select_n3A_1074 : vector<16xi32> to vector<16x1xi32>
      %gather3A_1076 = vector.shape_cast %broadcast_in_dim3A_1075 : vector<16x1xi32> to vector<16xi32>
      %gather3A_1077 = tpu.dynamic_gather %min3A_1064[%gather3A_1076] in [0] : vector<16xi32>, vector<16xi32> -> vector<16xi32>
      %min3A_1078 = arith.minsi %min3A_1064, %gather3A_1077 : vector<16xi32>
      %get3A_1079 = arith.constant 112 : index
      %get3A_1080 = tpu.vector_load %arg6[%get3A_1079] {strides = array<i32>} : memref<128xf32, #tpu.memory_space<vmem>>, vector<16xf32>,
      %get3A_1081 = vector.shape_cast %get3A_1080 : vector<16xf32> to vector<16xf32>
      %lt3A_1082 = arith.constant 0 : i32
      %lt3A_1083 = vector.broadcast %lt3A_1082 : i32 to vector<16xi32>
      %lt3A_1084 = arith.cmpi slt, %min3A_1078, %lt3A_1083 : vector<16xi32>
      %add3A_1085 = arith.constant 16 : i32
      %add3A_1086 = vector.broadcast %add3A_1085 : i32 to vector<16xi32>
      %add3A_1087 = arith.addi %min3A_1078, %add3A_1086 : vector<16xi32>
      %select_n3A_1088 = arith.select %lt3A_1084, %add3A_1087, %min3A_1078 : vector<16xi1>, vector<16xi32>
      %broadcast_in_dim3A_1089 = vector.shape_cast %select_n3A_1088 : vector<16xi32> to vector<16x1xi32>
      %gather3A_1090 = vector.shape_cast %broadcast_in_dim3A_1089 : vector<16x1xi32> to vector<16xi32>
      %gather3A_1091 = tpu.dynamic_gather %get3A_1081[%gather3A_1090] in [0] : vector<16xf32>, vector<16xi32> -> vector<16xf32>
      %eq3A_1092 = arith.constant 7 : i32
      %eq3A_1093 = vector.broadcast %eq3A_1092 : i32 to vector<16xi32>
      %eq3A_1094 = arith.cmpi eq, %iota3A, %eq3A_1093 : vector<16xi32>
      %select_n3A_1095 = arith.select %eq3A_1094, %gather3A_1091, %select_n3A_959 : vector<16xi1>, vector<16xf32>
      %swap3A = arith.constant 0 : index
      %swap3A_1096 = tpu.vector_load %arg7[%swap3A] {strides = array<i32>} : memref<16xf32, #tpu.memory_space<vmem>>, vector<16xf32>,
      %swap3A_1097 = vector.shape_cast %swap3A_1096 : vector<16xf32> to vector<16xf32>
      %swap3A_1098 = vector.shape_cast %select_n3A_1095 : vector<16xf32> to vector<16xf32>
      tpu.vector_store %arg7[%swap3A], %swap3A_1098 {strides = array<i32>} : memref<16xf32, #tpu.memory_space<vmem>>, vector<16xf32>,
      %mul3A_1099 = arith.constant 8 : i32
      %mul3A_1100 = arith.muli %add3A, %mul3A_1099 : i32
      "tpu.region"() ({
        %run_scoped3A = tpu.sem_alloc : memref<!tpu.dma_semaphore, #tpu.memory_space<semaphore_mem>>
        %dma_start3A_1101 = arith.constant 0 : i32
        %dma_start3A_1102 = tpu.memref_slice %arg7[%dma_start3A_1101] : memref<16xf32, #tpu.memory_space<vmem>> -> memref<8xf32, #tpu.memory_space<vmem>>
        %dma_start3A_1103 = tpu.memref_slice %arg4[%mul3A_1100] : memref<64xf32, #tpu.memory_space<hbm>> -> memref<8xf32, #tpu.memory_space<hbm>>
        %dma_start3A_1104 = tpu.memref_slice %arg4[%mul3A_1100] : memref<64xf32, #tpu.memory_space<hbm>> -> memref<8xf32, #tpu.memory_space<hbm>>
        %dma_start3A_1105 = arith.constant 0 : i32
        %dma_start3A_1106 = tpu.memref_slice %arg7[%dma_start3A_1105] : memref<16xf32, #tpu.memory_space<vmem>> -> memref<8xf32, #tpu.memory_space<vmem>>
        tpu.enqueue_dma source(%dma_start3A_1106 : memref<8xf32, #tpu.memory_space<vmem>>) target(%dma_start3A_1104 : memref<8xf32, #tpu.memory_space<hbm>>) target_semaphore(%run_scoped3A : memref<!tpu.dma_semaphore, #tpu.memory_space<semaphore_mem>>)
        %dma_wait3A_1107 = arith.constant 0 : i32
        %dma_wait3A_1108 = tpu.memref_slice %arg7[%dma_wait3A_1107] : memref<16xf32, #tpu.memory_space<vmem>> -> memref<8xf32, #tpu.memory_space<vmem>>
        %dma_wait3A_1109 = tpu.memref_slice %arg4[%mul3A_1100] : memref<64xf32, #tpu.memory_space<hbm>> -> memref<8xf32, #tpu.memory_space<hbm>>
        %dma_wait3A_1110 = tpu.memref_slice %arg4[%mul3A_1100] : memref<64xf32, #tpu.memory_space<hbm>> -> memref<8xf32, #tpu.memory_space<hbm>>
        %dma_wait3A_1111 = arith.constant 0 : i32
        %dma_wait3A_1112 = tpu.memref_slice %arg7[%dma_wait3A_1111] : memref<16xf32, #tpu.memory_space<vmem>> -> memref<8xf32, #tpu.memory_space<vmem>>
        tpu.wait_dma2 semaphore(%run_scoped3A : memref<!tpu.dma_semaphore, #tpu.memory_space<semaphore_mem>>) src(%dma_wait3A_1112 : memref<8xf32, #tpu.memory_space<vmem>>) dst(%dma_wait3A_1110 : memref<8xf32, #tpu.memory_space<hbm>>)
        tpu.yield
      }) : () -> ()
    } else {
    }
    return
  }
}

module attributes {stable_mosaic.version = 14 : i64} {
  func.func @_dense_kernel(%arg0: memref<64x48xf32, #tpu.memory_space<vmem>>, %arg1: memref<128x3xf32, #tpu.memory_space<vmem>>, %arg2: memref<1x128xf32, #tpu.memory_space<vmem>>, %arg3: memref<128x128xf32, #tpu.memory_space<vmem>>, %arg4: memref<1x128xf32, #tpu.memory_space<vmem>>, %arg5: memref<128x128xf32, #tpu.memory_space<vmem>>, %arg6: memref<1x128xf32, #tpu.memory_space<vmem>>, %arg7: memref<16x128xf32, #tpu.memory_space<vmem>>, %arg8: memref<1x16xf32, #tpu.memory_space<vmem>>, %arg9: memref<64x16xf32, #tpu.memory_space<vmem>>) attributes {dimension_semantics = [], scalar_prefetch = 0 : i64, scratch_operands = 0 : i64, tpu.core_type = #tpu.core_type<tc>} {
    %iota3A = tpu.iota {dimensions = array<i32: 0>} : vector<48x3xi32>
    %iota3A_0 = tpu.iota {dimensions = array<i32: 1>} : vector<48x3xi32>
    %jit3A = arith.constant 3 : i32
    %eq3A = arith.constant 0 : i32
    %eq3A_1 = arith.cmpi eq, %jit3A, %eq3A : i32
    %jit3A_2 = arith.constant 1 : i32
    %select_n3A = arith.select %eq3A_1, %jit3A_2, %jit3A : i32
    %rem3A = vector.broadcast %select_n3A : i32 to vector<48x3xi32>
    %rem3A_3 = arith.remsi %iota3A, %rem3A : vector<48x3xi32>
    %ne3A = arith.constant 0 : i32
    %ne3A_4 = vector.broadcast %ne3A : i32 to vector<48x3xi32>
    %ne3A_5 = arith.cmpi ne, %rem3A_3, %ne3A_4 : vector<48x3xi32>
    %lt3A = arith.constant 0 : i32
    %lt3A_6 = vector.broadcast %lt3A : i32 to vector<48x3xi32>
    %lt3A_7 = arith.cmpi slt, %rem3A_3, %lt3A_6 : vector<48x3xi32>
    %lt3A_8 = arith.constant 0 : i32
    %lt3A_9 = arith.cmpi slt, %select_n3A, %lt3A_8 : i32
    %ne3A_10 = vector.broadcast %lt3A_9 : i1 to vector<48x3xi1>
    %ne3A_11 = vector.broadcast %ne3A_10 : vector<48x3xi1> to vector<48x3xi1>
    %ne3A_12 = arith.xori %lt3A_7, %ne3A_11 : vector<48x3xi1>
    %and3A = arith.andi %ne3A_12, %ne3A_5 : vector<48x3xi1>
    %add3A = vector.broadcast %select_n3A : i32 to vector<48x3xi32>
    %add3A_13 = arith.addi %rem3A_3, %add3A : vector<48x3xi32>
    %select_n3A_14 = arith.select %and3A, %add3A_13, %rem3A_3 : vector<48x3xi1>, vector<48x3xi32>
    %eq3A_15 = arith.cmpi eq, %select_n3A_14, %iota3A_0 : vector<48x3xi32>
    %jit3A_16 = arith.constant 1.000000e+00 : f32
    %jit3A_17 = arith.constant 0.000000e+00 : f32
    %broadcast_in_dim3A = vector.broadcast %jit3A_16 : f32 to vector<48x3xf32>
    %broadcast_in_dim3A_18 = vector.broadcast %jit3A_17 : f32 to vector<48x3xf32>
    %select_n3A_19 = arith.select %eq3A_15, %broadcast_in_dim3A, %broadcast_in_dim3A_18 : vector<48x3xi1>, vector<48x3xf32>
    %get3A = arith.constant 0 : index
    %get3A_20 = arith.constant 0 : index
    %get3A_21 = vector.load %arg0[%get3A, %get3A_20] : memref<64x48xf32, #tpu.memory_space<vmem>>, vector<64x48xf32>
    %dot_general3A = arith.constant dense<0.000000e+00> : vector<64x3xf32>
    %dot_general3A_22 = tpu.matmul %get3A_21, %select_n3A_19, %dot_general3A {dimension_numbers = #tpu.dot_dimension_numbers<[1], [0], [0], [1], [0, 0, 1, 1], [], []>, transpose_lhs_hint = false} : vector<64x48xf32>, vector<48x3xf32>, vector<64x3xf32> -> vector<64x3xf32>
    %get3A_23 = arith.constant 0 : index
    %get3A_24 = arith.constant 0 : index
    %get3A_25 = vector.load %arg1[%get3A_23, %get3A_24] : memref<128x3xf32, #tpu.memory_space<vmem>>, vector<128x3xf32>
    %dot_general3A_26 = arith.constant dense<0.000000e+00> : vector<64x128xf32>
    %dot_general3A_27 = tpu.matmul %dot_general3A_22, %get3A_25, %dot_general3A_26 {dimension_numbers = #tpu.dot_dimension_numbers<[1], [1], [0], [0], [0, 0, 1, 0], [], []>, transpose_lhs_hint = false} : vector<64x3xf32>, vector<128x3xf32>, vector<64x128xf32> -> vector<64x128xf32>
    %mul3A = arith.constant 6.250000e-02 : f32
    %mul3A_28 = vector.broadcast %mul3A : f32 to vector<64x128xf32>
    %mul3A_29 = arith.mulf %dot_general3A_27, %mul3A_28 : vector<64x128xf32>
    %get3A_30 = arith.constant 0 : index
    %get3A_31 = arith.constant 0 : index
    %get3A_32 = vector.load %arg2[%get3A_30, %get3A_31] : memref<1x128xf32, #tpu.memory_space<vmem>>, vector<1x128xf32>
    %add3A_33 = vector.broadcast %get3A_32 : vector<1x128xf32> to vector<64x128xf32>
    %add3A_34 = arith.addf %mul3A_29, %add3A_33 : vector<64x128xf32>
    %get3A_35 = arith.constant 0 : index
    %get3A_36 = arith.constant 0 : index
    %get3A_37 = vector.load %arg3[%get3A_35, %get3A_36] : memref<128x128xf32, #tpu.memory_space<vmem>>, vector<128x128xf32>
    %dot_general3A_38 = arith.constant dense<0.000000e+00> : vector<64x128xf32>
    %dot_general3A_39 = tpu.matmul %add3A_34, %get3A_37, %dot_general3A_38 {dimension_numbers = #tpu.dot_dimension_numbers<[1], [1], [0], [0], [0, 0, 1, 0], [], []>, transpose_lhs_hint = false} : vector<64x128xf32>, vector<128x128xf32>, vector<64x128xf32> -> vector<64x128xf32>
    %get3A_40 = arith.constant 0 : index
    %get3A_41 = arith.constant 0 : index
    %get3A_42 = vector.load %arg4[%get3A_40, %get3A_41] : memref<1x128xf32, #tpu.memory_space<vmem>>, vector<1x128xf32>
    %add3A_43 = vector.broadcast %get3A_42 : vector<1x128xf32> to vector<64x128xf32>
    %add3A_44 = arith.addf %dot_general3A_39, %add3A_43 : vector<64x128xf32>
    %get3A_45 = arith.constant 0 : index
    %get3A_46 = arith.constant 0 : index
    %get3A_47 = vector.load %arg5[%get3A_45, %get3A_46] : memref<128x128xf32, #tpu.memory_space<vmem>>, vector<128x128xf32>
    %dot_general3A_48 = arith.constant dense<0.000000e+00> : vector<64x128xf32>
    %dot_general3A_49 = tpu.matmul %add3A_44, %get3A_47, %dot_general3A_48 {dimension_numbers = #tpu.dot_dimension_numbers<[1], [1], [0], [0], [0, 0, 1, 0], [], []>, transpose_lhs_hint = false} : vector<64x128xf32>, vector<128x128xf32>, vector<64x128xf32> -> vector<64x128xf32>
    %get3A_50 = arith.constant 0 : index
    %get3A_51 = arith.constant 0 : index
    %get3A_52 = vector.load %arg6[%get3A_50, %get3A_51] : memref<1x128xf32, #tpu.memory_space<vmem>>, vector<1x128xf32>
    %add3A_53 = vector.broadcast %get3A_52 : vector<1x128xf32> to vector<64x128xf32>
    %add3A_54 = arith.addf %dot_general3A_49, %add3A_53 : vector<64x128xf32>
    %ge3A = arith.constant 0.000000e+00 : f32
    %ge3A_55 = vector.broadcast %ge3A : f32 to vector<64x128xf32>
    %ge3A_56 = arith.cmpf oge, %add3A_54, %ge3A_55 : vector<64x128xf32>
    %mul3A_57 = arith.constant 0.00999999977 : f32
    %mul3A_58 = vector.broadcast %mul3A_57 : f32 to vector<64x128xf32>
    %mul3A_59 = arith.mulf %mul3A_58, %add3A_54 : vector<64x128xf32>
    %select_n3A_60 = arith.select %ge3A_56, %add3A_54, %mul3A_59 : vector<64x128xi1>, vector<64x128xf32>
    %get3A_61 = arith.constant 0 : index
    %get3A_62 = arith.constant 0 : index
    %get3A_63 = vector.load %arg7[%get3A_61, %get3A_62] : memref<16x128xf32, #tpu.memory_space<vmem>>, vector<16x128xf32>
    %dot_general3A_64 = arith.constant dense<0.000000e+00> : vector<64x16xf32>
    %dot_general3A_65 = tpu.matmul %select_n3A_60, %get3A_63, %dot_general3A_64 {dimension_numbers = #tpu.dot_dimension_numbers<[1], [1], [0], [0], [0, 0, 1, 0], [], []>, transpose_lhs_hint = false} : vector<64x128xf32>, vector<16x128xf32>, vector<64x16xf32> -> vector<64x16xf32>
    %get3A_66 = arith.constant 0 : index
    %get3A_67 = arith.constant 0 : index
    %get3A_68 = vector.load %arg8[%get3A_66, %get3A_67] : memref<1x16xf32, #tpu.memory_space<vmem>>, vector<1x16xf32>
    %add3A_69 = vector.broadcast %get3A_68 : vector<1x16xf32> to vector<64x16xf32>
    %add3A_70 = arith.addf %dot_general3A_65, %add3A_69 : vector<64x16xf32>
    %swap3A = arith.constant 0 : index
    %swap3A_71 = arith.constant 0 : index
    %swap3A_72 = vector.load %arg9[%swap3A, %swap3A_71] : memref<64x16xf32, #tpu.memory_space<vmem>>, vector<64x16xf32>
    tpu.vector_store %arg9[%swap3A, %swap3A_71], %add3A_70 {strides = array<i32>} : memref<64x16xf32, #tpu.memory_space<vmem>>, vector<64x16xf32>,
    return
  }
}

</mosaic_0001>

<sc_bundles>
// kernel: kernel.4.cloned.1.call-start
scs
__scs_entry_jumppad:
0x0: {  	(pc) =	sbr.rel $0x88, $3  }
0x1: {  	(tag) =	ssettag $0x0;
	lr =	simm.s32 $0x1  }
0x2: {  	[smem:$0x3F97] =	sst lr;
	_ =	strace $0xD0000000  }
0x3: {  	_ = 	snop  }
0x4: {  	_ = 	snop  }
0x5: {  	_ = 	snop  }
0x6: {  	_ = 	snop  }
0x7: {  	_ = 	snop  }
__scs_overlays_trampoline_lowered:
0x8: {  	[smem:$0x3FA6] =	sst s0  }
0x9: {  	[smem:$0x3FA7] =	sst s1  }
0xa: {  	[smem:$0x3FA8] =	sst s2  }
0xb: {  	[smem:$0x3FA9] =	sst s3  }
0xc: {  	[smem:$0x3FAA] =	sst s4  }
0xd: {  	[smem:$0x3FAB] =	sst s5  }
0xe: {  	[smem:$0x3FAC] =	sst s6  }
0xf: {  	[smem:$0x3FAD] =	sst s7  }
0x10: {  	[smem:$0x3FAE] =	sst s8  }
0x11: {  	[smem:$0x3FAF] =	sst s9;
	s0 =	simm.s32 @!p0 $0x0  }
0x12: {  	s1 =	sld [smem:$0x3F95];
	s0 =	simm.s32 @p0 $0x1  }
0x13: {  	[smem:$0x3FB0] =	sst s0;
	s0 =	simm.s32 @!p1 $0x0  }
0x14: {  	s2 =	sld [smem:$0x3F94];
	s0 =	simm.s32 @p1 $0x1  }
0x15: {  	[smem:$0x3FB1] =	sst s0;
	s0 =	simm.s32 @!p2 $0x0  }
0x16: {  	s3 =	sld [smem:$0x3FDB];
	s0 =	simm.s32 @p2 $0x1  }
0x17: {  	s4 =	simm.s32 $0x1BF5;
	[smem:$0x3FB3] =	sst s0  }
0x18: {  	s0 =	sld [smem:$0x3F96];
	_ =	swait.ge [sflag:s4], $0x0  }
0x19: {  	s7 =	sld [smem:$0x3F97]  }
0x1a: {  	s8 =	sadd.s32 $0xFFFFE003, lr  }
0x1b: {  	s9 =	sadd.s32 $0xFFFFFEF7, lr;
	s5 =	simm.s32 $0xFFFFFFFF;
	p2 =	slt.u32 s8, $0xFFFFF086  }
0x1c: {  	p1 =	slt.u32 s9, $0xF7A;
	s5 =	simm.s32 @!p2 $0x0  }
0x1d: {  	s5 =	simm.s32 @p1 $0x1;
	p0 =	seq.s32 s7, s2  }
0x1e: {  	s7 =	smul.u32 @!p0 $0xF7A, s2;
	p2 =	seq.s32 @!p0 s5, $0x0  }
0x1f: {  	s9 =	smul.u32 $0xF7A, s1;
	s8 =	simm.s32 @!p0 $0x1BF5;
	p2 =	por !p2, p0  }
0x20: {  	[sflag:s8] =	ssyncset.s32 @!p0 $0xFFFFF086;
	s6 =	sadd.s32 @!p0 s3, s7;
	s7 =	simm.s32 @!p0 $0x108  }
0x21: {  	s3 =	sadd.s32 s3, s9;
	s6 =	sadd.s32 @!p0 $0x88, s6;
	s7 =	simm.s32 @p2 $0x1082  }
0x22: {  	[simem:s7], [sflag:s8] =	dma.local @!p0 [hbm:s6], $0xF7A  }
0x23: {  	s9 =	sor.u32 $0xD0000000, s2;
	s6 =	simm.s32 $0x108;
	_ =	swait.ge @!p0 [sflag:s8], $0x0  }
0x24: {  	s3 =	sadd.s32 $0x88, s3;
	s6 =	simm.s32 @!p1 $0x1082;
	[sflag:s4] =	ssyncset.s32 $0xFFFFF086  }
0x25: {  	[simem:s6], [sflag:s4] =	dma.local [hbm:s3], $0xF7A  }
0x26: {  	[smem:$0x3F97] =	sst s1;
	(tag) =	ssettag s2;
	_ =	strace s9  }
0x27: {  	s1 =	sld [smem:$0x3FA7]  }
0x28: {  	s2 =	sld [smem:$0x3FA8]  }
0x29: {  	s4 =	sld [smem:$0x3FAA]  }
0x2a: {  	p0 =	seq.s32 s5, $0x0;
	s5 =	sld [smem:$0x3FAB]  }
0x2b: {  	s6 =	sld [smem:$0x3FAC]  }
0x2c: {  	s7 =	sld [smem:$0x3FAD]  }
0x2d: {  	s3 =	simm.s32 $0x108;
	s8 =	sld [smem:$0x3FAE]  }
0x2e: {  	s3 =	simm.s32 @!p0 $0x1082;
	s9 =	sld [smem:$0x3FAF]  }
0x2f: {  	lr =	sadd.s32 s0, s3;
	s0 =	sld [smem:$0x3FA6]  }
0x30: {  	s3 =	sld [smem:$0x3FA9]  }
0x31: {  	[smem:$0x3FB2] =	sst s10  }
0x32: {  	s10 =	sld [smem:$0x3FB0];
	_ =	sdelay $0x3  }
0x33: {  	p0 =	seq.s32 s10, $0x1;
	s10 =	sld [smem:$0x3FB2];
	_ =	sdelay $0x3  }
0x34: {  	[smem:$0x3FB2] =	sst s10  }
0x35: {  	s10 =	sld [smem:$0x3FB1];
	_ =	sdelay $0x3  }
0x36: {  	p1 =	seq.s32 s10, $0x1;
	s10 =	sld [smem:$0x3FB2];
	_ =	sdelay $0x3  }
0x37: {  	[smem:$0x3FB2] =	sst s10  }
0x38: {  	s10 =	sld [smem:$0x3FB3]  }
0x39: {  	_ = 	snop;
	(pc) =	sbr.ind lr, $3  }
0x3a: {  	_ = 	snop  }
0x3b: {  	_ = 	snop  }
0x3c: {  	p2 =	seq.s32 s10, $0x1;
	s10 =	sld [smem:$0x3FB2]  }
0x3d: {  	_ =	shalt  }
0x3e: {  	_ =	shalt  }
0x3f: {  	_ =	shalt  }
0x40: {  	_ =	shalt  }
0x41: {  	_ =	shalt  }
0x42: {  	_ =	shalt  }
0x43: {  	_ =	shalt  }
0x44: {  	_ =	shalt  }
0x45: {  	_ =	shalt  }
0x46: {  	_ =	shalt  }
0x47: {  	_ =	shalt  }
0x48: {  	_ =	shalt  }
0x49: {  	_ =	shalt  }
0x4a: {  	_ =	shalt  }
0x4b: {  	_ =	shalt  }
0x4c: {  	_ =	shalt  }
0x4d: {  	_ =	shalt  }
0x4e: {  	_ =	shalt  }
0x4f: {  	_ =	shalt  }
0x50: {  	_ =	shalt  }
0x51: {  	_ =	shalt  }
0x52: {  	_ =	shalt  }
0x53: {  	_ =	shalt  }
0x54: {  	_ =	shalt  }
0x55: {  	_ =	shalt  }
0x56: {  	_ =	shalt  }
0x57: {  	_ =	shalt  }
0x58: {  	_ =	shalt  }
0x59: {  	_ =	shalt  }
0x5a: {  	_ =	shalt  }
0x5b: {  	_ =	shalt  }
0x5c: {  	_ =	shalt  }
0x5d: {  	_ =	shalt  }
0x5e: {  	_ =	shalt  }
0x5f: {  	_ =	shalt  }
0x60: {  	_ =	shalt  }
0x61: {  	_ =	shalt  }
0x62: {  	_ =	shalt  }
0x63: {  	_ =	shalt  }
0x64: {  	_ =	shalt  }
0x65: {  	_ =	shalt  }
0x66: {  	_ =	shalt  }
0x67: {  	_ =	shalt  }
0x68: {  	_ =	shalt  }
0x69: {  	_ =	shalt  }
0x6a: {  	_ =	shalt  }
0x6b: {  	_ =	shalt  }
0x6c: {  	_ =	shalt  }
0x6d: {  	_ =	shalt  }
0x6e: {  	_ =	shalt  }
0x6f: {  	_ =	shalt  }
0x70: {  	_ =	shalt  }
0x71: {  	_ =	shalt  }
0x72: {  	_ =	shalt  }
0x73: {  	_ =	shalt  }
0x74: {  	_ =	shalt  }
0x75: {  	_ =	shalt  }
0x76: {  	_ =	shalt  }
0x77: {  	_ =	shalt  }
0x78: {  	_ =	shalt  }
0x79: {  	_ =	shalt  }
0x7a: {  	_ =	shalt  }
0x7b: {  	_ =	shalt  }
0x7c: {  	_ =	shalt  }
0x7d: {  	_ =	shalt  }
0x7e: {  	_ =	shalt  }
0x7f: {  	_ =	shalt  }
0x80: {  	_ =	shalt  }
0x81: {  	_ =	shalt  }
0x82: {  	_ =	shalt  }
0x83: {  	_ =	shalt  }
0x84: {  	_ =	shalt  }
0x85: {  	_ =	shalt  }
0x86: {  	_ =	shalt  }
0x87: {  	_ =	shalt  }
.Lfunc_end0:
.L_simem_size_0:
called_computation_lowered:
.L_overlay_start_0:
0x88: {  	s2 =	sld [smem:$0x3FD9]  }
0x89: {  	s3 =	sld [smem:$0x3FFE];
	_ =	sdelay $0x1  }
0x8a: {  	s1 =	srdreg.scid  }
0x8b: {  	s0 =	sand.u32 $0x1, s1  }
0x8c: {  	s17 =	sshll.u32 s0, $0xA;
	s2 =	sadd.s32 s3, s2  }
0x8d: {  	s2 =	sadd.s32 s2, s17  }
0x8e: {  	[smem:$0x3FBE] =	sst s2  }
0x8f: {  	_ = 	snop  }
0x90: {  	s2 =	sld [smem:$0x3FD0];
	(tm) =	ssettm $0x1  }
0x91: {  	s18 =	sld [smem:$0x3FFB];
	_ =	sdelay $0x3  }
0x92: {  	_ =	strace s18  }
0x93: {  	s3 =	sld [smem:$0x3FFC];
	_ =	sdelay $0x3  }
0x94: {  	_ =	strace s3  }
0x95: {  	s3 =	sld [smem:$0x3FFD];
	_ =	sdelay $0x3  }
0x96: {  	_ =	strace s3  }
0x97: {  	_ =	strace $0x8FFFFFFF  }
0x98: {  	s19 =	sld [smem:$0x3FDB];
	_ =	sdelay $0x1  }
0x99: {  	s4 =	simm.s32 $_scs_section_size  }
0x9a: {  	s5 =	simm.s32 $_size__tile_overlayer_lowered;
	s6 =	simm.s32 $_tile_overlayer_lowered  }
0x9b: {  	s22 =	simm.s32 $0x1BFF;
	s21 =	sshll.u32 s6, $0x1;
	s3 =	sadd.s32 s4, s19  }
0x9c: {  	s7 =	simm.s32 $0x0;
	s20 =	sshll.u32 s5, $0x1;
	s5 =	sadd.s32 s21, s3  }
0x9d: {  	[timem:s7], [sflag:s22] =	dma.local [hbm:s5], s20  }
0x9e: {  	_ =	swait.ge [sflag:s22], s20  }
0x9f: {  	s4 =	ssub.s32 $0x0, s20;
	[sflag:s22] =	ssyncset.done $0x0  }
0xa0: {  	[sflag:s22] =	ssyncadd.s32 s4;
	_ =	sdelay $0x1  }
0xa1: {  	s23 =	simm.s32 $0x1B8B  }
0xa2: {  	_ =	swait.ge [sflag:s23], $0x1  }
0xa3: {  	[sflag:s23] =	ssyncset.done $0x0  }
0xa4: {  	s25 =	simm.s32 $0x1B8E;
	s24 =	sld [smem:$0x3FFE];
	[sflag:s23] =	ssyncadd.s32 $0xFFFFFFFF  }
0xa5: {  	s26 =	simm.s32 $execute0_lowered;
	[smem:$0x3FD2] =	sst s25  }
0xa6: {  	s5 =	sshll.u32 s26, $0x1;
	_ =	strace $0x80000046;
	[dreg:$0x1] =	wrdreg $0xFFFFFFFF  }
0xa7: {  	s28 =	simm.s32 $_size_execute0_lowered;
	s3 =	sadd.s32 s3, s5;
	[dreg:$0x0] =	wrdreg $0x0  }
0xa8: {  	s5 =	sshll.u32 s28, $0x1;
	[dreg:$0x2] =	wrdreg s3  }
0xa9: {  	[dreg:$0x3] =	wrdreg s5  }
0xaa: {  	[dreg:$0x4] =	wrdreg $0xC0  }
0xab: {  	_ =	task [dreg:s7], $0x5FFFF  }
0xac: {  	[dreg:$0x1] =	wrdreg $0xFFFFFFFF  }
0xad: {  	[dreg:$0x0] =	wrdreg $0x60  }
0xae: {  	[dreg:$0x2] =	wrdreg s24  }
0xaf: {  	[dreg:$0x3] =	wrdreg s2  }
0xb0: {  	[dreg:$0x4] =	wrdreg $0x9  }
0xb1: {  	_ =	task.clear_ibuf [dreg:s7], $0x5FFFF;
	_ =	strace $0x90000046  }
0xb2: {  	s29 =	simm.s32 $0x9;
	_ =	strace $0x80000048  }
0xb3: {  	_ =	swait.ge [sflag:s29], $0x1  }
0xb4: {  	[sflag:s29] =	ssyncadd.s32 $0xFFFFFFFF  }
0xb5: {  	_ =	strace $0x90000048  }
0xb6: {  	_ =	sfence  }
0xb7: {  	s30 =	sld [smem:$0x0];
	_ =	sdelay $0x2  }
0xb8: {  	s31 =	sshll.u32 s1, $0xD;
	s1 =	sshrl.u32 s1, $0x2  }
0xb9: {  	s3 =	sand.u32 $0x4000, s31;
	s1 =	sadd.s32 s1, s30  }
0xba: {  	s0 =	sor.u32 s3, s0;
	s1 =	sshll.u32 s1, $0x11  }
0xbb: {  	s0 =	sor.u32 s1, s0  }
0xbc: {  	s0 =	sadd.s32 $0x8F2B, s0  }
0xbd: {  	[sflag:s0] =	ssyncadd.remote.s32 $0x1  }
0xbe: {  	_ =	sfence.sel $0xFFFF  }
0xbf: {  	[dreg:$0x0] =	wrdreg $0xFFFFFFFF;
	(pc) =	sbr.abs _section_cstart, $3  }
0xc0: {  	[dreg:$0x1] =	wrdreg $0xFFFFFFFF  }
0xc1: {  	_ =	task.clear_ibuf [dreg:s7], $0x2FFFF;
	_ =	strace $0x9FFFFFFF  }
0xc2: {  	(tm) =	ssettm $0x7FFFFFFF  }
0xc3: {  	_ =	shalt  }
tec
execute0_lowered:
.L_overlay_start_1:
0x0: {  	(tag) =	ssettag $0x1  }
0x1: {  	s1 =	stileid.u32  }
0x2: {  	p0 =	sgt.u32 s1, $0x3  }
.Ltmp0:
0x3: {  	_ = 	snop;
	(pc) =	sbr.rel @p0 .LBB2_4-.Ltmp0, $4  }
0x4: {  	s6 =	rddreg [dreg:$0x0]  }
0x5: {  	s3 =	rddreg [dreg:$0x1];
	s2 =	simm.s32 $0x0  }
0x6: {  	[smem:$0x7FF] =	sst s2  }
0x7: {  	s0 =	rddreg [dreg:$0x2];
	_ =	strace $0x80000047  }
0x8: {  	s4 =	srdreg.scid  }
0x9: {  	s31 =	sshll.u32 s1, $0x1;
	s5 =	sand.u32 $0x1, s4  }
0xa: {  	s4 =	sor.u32 s5, s31  }
0xb: {  	s7 =	sadd.s32 $0x1800, s6;
	s8 =	sshll.u32 s4, $0x4  }
0xc: {  	s7 =	sadd.s32 s8, s7  }
0xd: {  	s9 =	sadd.s32 $0x1600, s6;
	s6 =	sadd.s32 $0x80, s7  }
0xe: {  	[tilespmem:s2], [sflag:$0x1] =	stream.linear.gather [hbm4b:s6+s2], $0x80, $0x38;
	[tilespmem:$0x180] =	vst v63  }
0xf: {  	s7 =	sadd.s32 s9, s8;
	s8 =	simm.s32 $0x80;
	s9 =	simm.s32 $0x1  }
0x10: {  	v0 =	vimm.s32 $0xFEDCBA98;
	[tilespmem:s8], [sflag:$0x1] =	stream.linear.gather [hbm4b:s7+s2], $0x80, $0x38;
	[tilespmem:$0x180] =	vst v63  }
0x11: {  	v1 =	vimm.s32 $0x76543210;
	v2 =	vimm.s32 $0xBA98FEDC;
	v3 =	vimm.s32 $0x32107654;
	_ =	swait.ge [sflag:s9], $0x80  }
0x12: {  	v4 =	vimm.s32 $0xDCFE98BA;
	v5 =	vimm.s32 $0x54761032;
	v6 =	vimm.s32 $0xEFCDAB89;
	[sflag:s9] =	ssyncset.done $0x0  }
0x13: {  	v7 =	vimm.s32 $0x67452301;
	v0 =	vunpack.c.l.s4.s8 v0;
	v1 =	vunpack.c.l.s4.s8 v1;
	[sflag:s9] =	ssyncadd.s32 $0xFFFFFF80  }
0x14: {  	v2 =	vunpack.c.l.s4.s8 v2;
	v6 =	vunpack.c.l.s4.s8 v6;
	v7 =	vunpack.c.l.s4.s8 v7;
	_ =	swait.ge [sflag:s9], $0x80  }
0x15: {  	v3 =	vunpack.c.l.s4.s8 v3;
	v4 =	vunpack.c.l.s4.s8 v4;
	v5 =	vunpack.c.l.s4.s8 v5;
	[sflag:s9] =	ssyncset.done $0x0  }
0x16: {  	v0 =	vunpack.c.0.s8.s32 v0;
	v6 =	vunpack.c.0.s8.s32 v6;
	v7 =	vunpack.c.0.s8.s32 v7;
	[sflag:s9] =	ssyncadd.s32 $0xFFFFFF80  }
0x17: {  	v2 =	vunpack.c.0.s8.s32 v2;
	v4 =	vunpack.c.0.s8.s32 v4;
	v5 =	vunpack.c.0.s8.s32 v5;
	v8 =	vld [tilespmem:$0x70]  }
0x18: {  	v3 =	vunpack.c.0.s8.s32 v3;
	v1 =	vunpack.c.0.s8.s32 v1;
	v7 =	vcombine.low v7, v6;
	v6 =	vld [tilespmem:$0x30]  }
0x19: {  	v0 =	vand.u32 $0xF, v0;
	v4 =	vcombine.low v5, v4;
	v5 =	vld [tilespmem:$0x0]  }
0x1a: {  	v2 =	vcombine.low v3, v2;
	v3 =	vcombine.low v0, v1;
	v9 =	vld [tilespmem:$0x40]  }
0x1b: {  	vm7 =	vmmov $0x1;
	vm5 =	vcmask $0x320;
	vm4 =	vcmask $0x720;
	s5 =	ssub.s32 $0x2, s5;
	v12 =	vld [tilespmem:$0x10]  }
0x1c: {  	vm1 =	vcmask $0xB20;
	s10 =	sshrl.u32 s5, $0x1;
	v0 =	vand.u32 $0xF, v7;
	v11 =	vld [tilespmem:$0x60];
	v7 =	vperm.xlane v8, v3  }
0x1d: {  	vm2 =	vcmask $0xF20;
	vm0 =	vcmask $0x1320;
	s5 =	ssub.s32 s5, s10;
	v10 =	vld [tilespmem:$0x20];
	v13 =	vperm.xlane v6, v3  }
0x1e: {  	vm3 =	vcmask $0x1720;
	s10 =	smax.u32 s5, $0x1;
	v2 =	vand.u32 $0xF, v2;
	v7 =	vmax.f32 v8, v7  }
0x1f: {  	p0 =	sne.s32 s10, $0x1;
	v14 =	vperm.xlane v5, v3;
	v15 =	vmax.f32 v6, v13;
	v13 =	vperm.xlane v7, v2  }
.Ltmp1:
0x20: {  	vm6 =	vcmask $0x1B20;
	v1 =	vand.u32 $0xF, v4;
	v18 =	vperm.xlane v12, v3;
	(pc) =	sbr.rel @!p0 .LBB2_3-.Ltmp1, $4  }
0x21: {  	v17 =	vmax.f32 v5, v14;
	v14 =	vperm.xlane v9, v3;
	v13 =	vmax.f32 v7, v13;
	v7 =	vld [tilespmem:$0x50]  }
0x22: {  	v4 =	vlaneseq.u32;
	v23 =	vperm.xlane v11, v3;
	v16 =	vperm.xlane v10, v3  }
0x23: {  	s3 =	sadd.s32 s3, s4;
	v21 =	vmax.f32 v12, v18;
	v19 =	vperm.xlane v17, v2;
	v20 =	vmax.f32 v9, v14  }
0x24: {  	s4 =	simm.s32 $0x2;
	s5 =	simm.s32 $0x100;
	s10 =	sadd.s32 $0xFFFFFFFF, s10;
	v18 =	vmax.f32 v11, v23;
	v22 =	vperm.xlane v20, v2;
	v14 =	vperm.xlane v13, v1  }
.LBB2_2:
0x25: {  	p0 =	sne.s32 s10, $0x1;
	s10 =	sadd.s32 $0xFFFFFFFF, s10;
	v17 =	vmax.f32 v17, v19;
	v19 =	vperm.xlane v21, v2;
	v23 =	vperm.xlane v18, v2  }
0x26: {  	v24 =	vperm.xlane v15, v2;
	v20 =	vmax.f32 v20, v22;
	v22 =	vperm.xlane v7, v3  }
0x27: {  	v25 =	vperm.xlane v17, v1;
	v19 =	vmax.f32 v21, v19;
	v21 =	vperm.xlane v20, v1  }
0x28: {  	v16 =	vmax.f32 v10, v16;
	v26 =	vperm.xlane v19, v1;
	v22 =	vmax.f32 v7, v22  }
0x29: {  	v27 =	vperm.xlane v16, v2;
	v18 =	vmax.f32 v18, v23;
	v20 =	vmax.f32 v20, v21  }
0x2a: {  	v23 =	vperm.xlane v18, v1;
	v21 =	vperm.xlane v22, v2;
	v19 =	vmax.f32 v19, v26  }
0x2b: {  	v17 =	vmax.f32 v17, v25;
	v16 =	vmax.f32 v16, v27;
	v25 =	vperm.xlane v19, v0  }
0x2c: {  	v15 =	vmax.f32 v15, v24;
	v27 =	vperm.xlane v16, v1;
	v26 =	vperm.xlane v17, v0  }
0x2d: {  	v24 =	vperm.xlane v20, v0;
	v18 =	vmax.f32 v18, v23;
	v19 =	vmax.f32 v19, v25  }
0x2e: {  	v23 =	vperm.xlane v15, v1;
	v16 =	vmax.f32 v16, v27;
	v21 =	vmax.f32 v22, v21  }
0x2f: {  	vm8 =	veq.f32 v12, v19;
	v12 =	vmax.f32 v20, v24;
	v19 =	vperm.xlane v18, v0  }
0x30: {  	v15 =	vmax.f32 v15, v23;
	v22 =	vperm.xlane v21, v1;
	v20 =	vnsel vm8, $0x10, v4  }
0x31: {  	v24 =	vperm.xlane v16, v0;
	v23 =	vperm.xlane v20, v3;
	v18 =	vmax.f32 v18, v19  }
0x32: {  	v19 =	vperm.xlane v15, v0;
	vm9 =	veq.f32 v11, v18;
	v11 =	vmax.f32 v13, v14  }
0x33: {  	vm8 =	vlt.s32 v20, v23;
	v13 =	vnsel vm9, $0x10, v4;
	v14 =	vperm.xlane v11, v0  }
0x34: {  	v16 =	vmax.f32 v16, v24;
	vm9 =	veq.f32 v9, v12;
	v9 =	vperm.xlane v13, v3  }
0x35: {  	vm10 =	veq.f32 v10, v16;
	v10 =	vnsel vm9, $0x10, v4;
	v11 =	vmax.f32 v11, v14  }
0x36: {  	v12 =	vperm.xlane v10, v3;
	vm9 =	vlt.s32 v13, v9;
	vm11 =	veq.f32 v8, v11  }
0x37: {  	v8 =	vnsel vm10, $0x10, v4;
	v11 =	vmax.f32 v15, v19;
	v14 =	vnsel vm11, $0x10, v4  }
0x38: {  	v15 =	vperm.xlane v8, v3;
	vm10 =	vlt.s32 v10, v12;
	v16 =	vperm.xlane v14, v3  }
0x39: {  	v17 =	vmax.f32 v17, v26;
	vm11 =	veq.f32 v6, v11;
	v6 =	vsel vm10, v10, v12  }
0x3a: {  	vm10 =	vlt.s32 v8, v15;
	v10 =	vperm.xlane v6, v2;
	vm12 =	vlt.s32 v14, v16  }
0x3b: {  	v11 =	vnsel vm11, $0x10, v4;
	v8 =	vsel vm10, v8, v15;
	v12 =	vsel vm12, v14, v16  }
0x3c: {  	v15 =	vmax.f32 v21, v22;
	v14 =	vperm.xlane v8, v2;
	vm10 =	vlt.s32 v6, v10  }
0x3d: {  	v16 =	vperm.xlane v11, v3;
	v6 =	vsel vm10, v6, v10;
	v10 =	vperm.xlane v12, v2  }
0x3e: {  	v19 =	vperm.xlane v15, v0;
	vm10 =	vlt.s32 v8, v14;
	v18 =	vperm.xlane v6, v1  }
0x3f: {  	v8 =	vsel vm10, v8, v14;
	vm10 =	vlt.s32 v11, v16;
	vm11 =	vlt.s32 v12, v10  }
0x40: {  	v9 =	vsel vm9, v13, v9;
	v14 =	vperm.xlane v8, v1;
	v10 =	vsel vm11, v12, v10  }
0x41: {  	v11 =	vsel vm10, v11, v16;
	v12 =	vmax.f32 v15, v19;
	v13 =	vperm.xlane v10, v1  }
0x42: {  	vm10 =	veq.f32 v7, v12;
	v7 =	vperm.xlane v9, v2;
	vm9 =	vlt.s32 v8, v14  }
0x43: {  	vm11 =	veq.f32 v5, v17;
	v5 =	vnsel vm10, $0x10, v4;
	vm10 =	vlt.s32 v10, v13  }
0x44: {  	v12 =	vperm.xlane v11, v2;
	v15 =	vperm.xlane v5, v3;
	vm12 =	vlt.s32 v9, v7  }
0x45: {  	v17 =	vsel vm8, v20, v23;
	v16 =	vnsel vm11, $0x10, v4;
	v7 =	vsel vm12, v9, v7  }
0x46: {  	v9 =	vperm.xlane v16, v3;
	vm11 =	vlt.s32 v5, v15;
	v19 =	vperm.xlane v7, v1  }
0x47: {  	v20 =	vperm.xlane v17, v2;
	vm8 =	vlt.s32 v11, v12;
	v5 =	vsel vm11, v5, v15  }
0x48: {  	v10 =	vsel vm10, v10, v13;
	vm11 =	vlt.s32 v16, v9;
	v15 =	vperm.xlane v5, v2  }
0x49: {  	v8 =	vsel vm9, v8, v14;
	vm10 =	vlt.s32 v17, v20;
	vm9 =	vlt.s32 v7, v19  }
0x4a: {  	v13 =	vsel vm10, v17, v20;
	v9 =	vsel vm11, v16, v9;
	vm10 =	vlt.s32 v5, v15  }
0x4b: {  	v16 =	vperm.xlane v13, v1;
	v14 =	vperm.xlane v9, v2;
	v5 =	vsel vm10, v5, v15  }
0x4c: {  	v7 =	vsel vm9, v7, v19;
	v15 =	vperm.xlane v8, v0;
	v17 =	vperm.xlane v5, v1  }
0x4d: {  	v19 =	vperm.xlane v7, v0;
	vm9 =	vlt.s32 v9, v14;
	vm10 =	vlt.s32 v13, v16  }
0x4e: {  	v9 =	vsel vm9, v9, v14;
	v13 =	vsel vm10, v13, v16;
	vm9 =	vlt.s32 v5, v17  }
0x4f: {  	v14 =	vperm.xlane v9, v1;
	v16 =	vperm.xlane v13, v0;
	v5 =	vsel vm9, v5, v17  }
0x50: {  	v11 =	vsel vm8, v11, v12;
	vm8 =	vlt.s32 v7, v19;
	v12 =	vperm.xlane v5, v0  }
0x51: {  	vm9 =	vlt.s32 v9, v14;
	vm10 =	vlt.s32 v13, v16;
	v17 =	vperm.xlane v11, v1  }
0x52: {  	v9 =	vsel vm9, v9, v14;
	v13 =	vsel vm10, v13, v16;
	vm9 =	vlt.s32 v5, v12;
	v14 =	vld [tilespmem:$0x80]  }
0x53: {  	vm10 =	vlt.s32 v6, v18;
	v16 =	vperm.xlane v9, v0;
	v5 =	vsel vm9, v5, v12;
	v20 =	vld [tilespmem:$0x90]  }
0x54: {  	vm11 =	vlt.s32 v11, v17;
	v6 =	vsel vm10, v6, v18;
	vm9 =	vlt.s32 v8, v15;
	v12 =	vld [tilespmem:$0xA0]  }
0x55: {  	v11 =	vsel vm11, v11, v17;
	v18 =	vperm.xlane v6, v0;
	vm10 =	vlt.s32 v9, v16;
	v17 =	vld [tilespmem:$0xB0]  }
0x56: {  	v9 =	vsel vm10, v9, v16;
	v8 =	vsel vm9, v8, v15;
	v15 =	vperm.xlane v11, v0;
	v16 =	vld [tilespmem:$0xC0]  }
0x57: {  	v7 =	vsel vm8, v7, v19;
	vm9 =	vlt.s32 v6, v18;
	v9 =	vperm.xlane v14, v9;
	v14 =	vld [tilespmem:$0xD0]  }
0x58: {  	v6 =	vsel vm9, v6, v18;
	vm8 =	vlt.s32 v11, v15;
	v13 =	vperm.xlane v20, v13;
	v18 =	vld [tilespmem:$0xE0]  }
0x59: {  	v11 =	vsel vm8, v11, v15;
	v9 =	vnsel vm7, $0x0, v9;
	v8 =	vperm.xlane v12, v8;
	v12 =	vld [tilespmem:$0xF0]  }
0x5a: {  	v9 =	vsel vm5, v9, v13;
	v11 =	vperm.xlane v17, v11;
	v13 =	vperm.xlane v10, v0  }
0x5b: {  	v8 =	vsel vm4, v9, v8;
	v6 =	vperm.xlane v16, v6  }
0x5c: {  	v8 =	vsel vm1, v8, v11;
	v5 =	vperm.xlane v14, v5;
	vm8 =	vlt.s32 v10, v13  }
0x5d: {  	v6 =	vsel vm2, v8, v6;
	v7 =	vperm.xlane v18, v7;
	v8 =	vsel vm8, v10, v13  }
0x5e: {  	v5 =	vsel vm0, v6, v5;
	v6 =	vperm.xlane v12, v8  }
0x5f: {  	v5 =	vsel vm3, v5, v7  }
0x60: {  	v5 =	vsel vm6, v5, v6  }
0x61: {  	[tilespmem:$0x100] =	vst v5  }
0x62: {  	[hbm4b:s3+s2] =	stream.linear.scatter [tilespmem:s5], [sflag:$0x2], $0x8, $0x38;
	[tilespmem:$0x180] =	vst v63  }
0x63: {  	_ =	swait.ge [sflag:s4], $0x8  }
0x64: {  	[sflag:s4] =	ssyncset.done $0x0  }
0x65: {  	[sflag:s4] =	ssyncadd.s32 $0xFFFFFFF8  }
0x66: {  	[tilespmem:s2], [sflag:$0x1] =	stream.linear.gather [hbm4b:s6+s2], $0x80, $0x38;
	[tilespmem:$0x180] =	vst v63  }
0x67: {  	_ = 	snop  }
0x68: {  	[tilespmem:s8], [sflag:$0x1] =	stream.linear.gather [hbm4b:s7+s2], $0x80, $0x38;
	[tilespmem:$0x180] =	vst v63  }
0x69: {  	_ =	swait.ge [sflag:s9], $0x80  }
0x6a: {  	[sflag:s9] =	ssyncset.done $0x0  }
0x6b: {  	[sflag:s9] =	ssyncadd.s32 $0xFFFFFF80  }
0x6c: {  	_ =	swait.ge [sflag:s9], $0x80  }
0x6d: {  	[sflag:s9] =	ssyncset.done $0x0  }
0x6e: {  	[sflag:s9] =	ssyncadd.s32 $0xFFFFFF80  }
0x6f: {  	v8 =	vld [tilespmem:$0x70]  }
0x70: {  	v6 =	vld [tilespmem:$0x30]  }
0x71: {  	v5 =	vld [tilespmem:$0x0]  }
0x72: {  	v9 =	vld [tilespmem:$0x40]  }
0x73: {  	v12 =	vld [tilespmem:$0x10]  }
0x74: {  	v11 =	vld [tilespmem:$0x60];
	v7 =	vperm.xlane v8, v3  }
0x75: {  	v10 =	vld [tilespmem:$0x20];
	v13 =	vperm.xlane v6, v3  }
0x76: {  	v14 =	vperm.xlane v5, v3;
	v16 =	vmax.f32 v8, v7  }
.Ltmp2:
0x77: {  	v15 =	vmax.f32 v6, v13;
	v13 =	vperm.xlane v16, v2;
	(pc) =	sbr.rel @p0 .LBB2_2-.Ltmp2, $4  }
0x78: {  	v17 =	vmax.f32 v5, v14;
	v18 =	vperm.xlane v12, v3;
	v14 =	vperm.xlane v9, v3;
	v7 =	vld [tilespmem:$0x50]  }
0x79: {  	v19 =	vperm.xlane v17, v2;
	v23 =	vperm.xlane v11, v3;
	v13 =	vmax.f32 v16, v13  }
0x7a: {  	v16 =	vperm.xlane v10, v3;
	v20 =	vmax.f32 v9, v14;
	v14 =	vperm.xlane v13, v1  }
0x7b: {  	v21 =	vmax.f32 v12, v18;
	v22 =	vperm.xlane v20, v2;
	v18 =	vmax.f32 v11, v23  }
.LBB2_3:
0x7c: {  	v17 =	vmax.f32 v17, v19;
	v39 =	vperm.xlane v21, v2  }
0x7d: {  	v23 =	vperm.xlane v18, v2;
	v24 =	vperm.xlane v15, v2;
	v16 =	vmax.f32 v10, v16  }
0x7e: {  	v20 =	vmax.f32 v20, v22;
	v40 =	vperm.xlane v7, v3;
	v25 =	vperm.xlane v17, v1  }
0x7f: {  	v27 =	vperm.xlane v16, v2;
	v53 =	vmax.f32 v13, v14;
	v19 =	vmax.f32 v21, v39  }
0x80: {  	v41 =	vperm.xlane v20, v1;
	v18 =	vmax.f32 v18, v23;
	v15 =	vmax.f32 v15, v24  }
0x81: {  	v14 =	vperm.xlane v53, v0;
	v26 =	vperm.xlane v19, v1;
	v22 =	vmax.f32 v7, v40  }
0x82: {  	v43 =	vperm.xlane v18, v1;
	v17 =	vmax.f32 v17, v25;
	v16 =	vmax.f32 v16, v27  }
0x83: {  	v47 =	vperm.xlane v15, v1;
	v42 =	vperm.xlane v22, v2;
	v20 =	vmax.f32 v20, v41  }
0x84: {  	v45 =	vperm.xlane v17, v0;
	v27 =	vperm.xlane v16, v1;
	v19 =	vmax.f32 v19, v26  }
0x85: {  	v46 =	vperm.xlane v20, v0;
	v18 =	vmax.f32 v18, v43;
	v15 =	vmax.f32 v15, v47  }
0x86: {  	v44 =	vperm.xlane v19, v0;
	v16 =	vmax.f32 v16, v27;
	v22 =	vmax.f32 v22, v42  }
0x87: {  	v48 =	vperm.xlane v18, v0;
	v54 =	vperm.xlane v15, v0;
	v17 =	vmax.f32 v17, v45  }
0x88: {  	v49 =	vmax.f32 v20, v46;
	v23 =	vperm.xlane v22, v1;
	v52 =	vperm.xlane v16, v0  }
0x89: {  	v19 =	vmax.f32 v19, v44;
	vm9 =	veq.f32 v9, v49;
	v60 =	vmax.f32 v15, v54  }
0x8a: {  	vm8 =	veq.f32 v12, v19;
	v12 =	vmax.f32 v18, v48;
	v16 =	vmax.f32 v16, v52  }
0x8b: {  	v57 =	vnsel vm9, $0x10, v4;
	v26 =	vmax.f32 v22, v23;
	v50 =	vnsel vm8, $0x10, v4  }
0x8c: {  	vm15 =	veq.f32 v11, v12;
	vm10 =	veq.f32 v10, v16;
	v58 =	vperm.xlane v57, v3  }
0x8d: {  	v11 =	vmax.f32 v53, v14;
	v30 =	vperm.xlane v26, v0;
	v51 =	vperm.xlane v50, v3  }
0x8e: {  	v55 =	vnsel vm15, $0x10, v4;
	vm11 =	veq.f32 v8, v11;
	v59 =	vnsel vm10, $0x10, v4  }
0x8f: {  	vm10 =	veq.f32 v6, v60;
	v56 =	vperm.xlane v55, v3;
	v61 =	vnsel vm11, $0x10, v4  }
0x90: {  	v62 =	vperm.xlane v59, v3;
	vm12 =	vlt.s32 v57, v58;
	v11 =	vnsel vm10, $0x10, v4  }
0x91: {  	v31 =	vmax.f32 v26, v30;
	vm8 =	vlt.s32 v50, v51;
	v63 =	vperm.xlane v61, v3  }
0x92: {  	v10 =	vsel vm12, v57, v58;
	v27 =	vperm.xlane v11, v3;
	vm9 =	vlt.s32 v55, v56  }
0x93: {  	vm11 =	vlt.s32 v59, v62;
	v21 =	vperm.xlane v10, v2;
	v38 =	vsel vm8, v50, v51  }
0x94: {  	vm12 =	vlt.s32 v61, v63;
	v8 =	vsel vm11, v59, v62;
	vm15 =	vlt.s32 v11, v27  }
0x95: {  	v9 =	vsel vm9, v55, v56;
	vm11 =	veq.f32 v5, v17;
	v40 =	vperm.xlane v38, v2  }
0x96: {  	v12 =	vsel vm12, v61, v63;
	v25 =	vperm.xlane v8, v2;
	vm13 =	vlt.s32 v10, v21  }
0x97: {  	v11 =	vsel vm15, v11, v27;
	v33 =	vperm.xlane v9, v2;
	v37 =	vnsel vm11, $0x10, v4  }
0x98: {  	v6 =	vsel vm13, v10, v21;
	v28 =	vperm.xlane v12, v2;
	vm13 =	veq.f32 v7, v31  }
0x99: {  	v35 =	vperm.xlane v11, v2;
	v39 =	vperm.xlane v37, v3;
	vm14 =	vlt.s32 v8, v25  }
0x9a: {  	v29 =	vperm.xlane v6, v1;
	v34 =	vnsel vm13, $0x10, v4;
	v8 =	vsel vm14, v8, v25  }
0x9b: {  	vm12 =	vlt.s32 v12, v28;
	v36 =	vperm.xlane v34, v3;
	vm8 =	vlt.s32 v11, v35  }
0x9c: {  	vm11 =	vlt.s32 v37, v39;
	v14 =	vperm.xlane v8, v1;
	v10 =	vsel vm12, v12, v28  }
0x9d: {  	vm12 =	vlt.s32 v9, v33;
	v3 =	vsel vm11, v37, v39;
	v11 =	vsel vm8, v11, v35  }
0x9e: {  	v32 =	vperm.xlane v10, v1;
	v7 =	vsel vm12, v9, v33;
	vm14 =	vlt.s32 v34, v36  }
0x9f: {  	v42 =	vperm.xlane v3, v2;
	v49 =	vperm.xlane v11, v1;
	vm9 =	vlt.s32 v8, v14  }
0xa0: {  	v9 =	vperm.xlane v7, v1;
	v5 =	vsel vm14, v34, v36;
	vm10 =	vlt.s32 v10, v32  }
0xa1: {  	v15 =	vperm.xlane v5, v2;
	v8 =	vsel vm9, v8, v14;
	v10 =	vsel vm10, v10, v32  }
0xa2: {  	vm10 =	vlt.s32 v38, v40;
	vm12 =	vlt.s32 v7, v9;
	v47 =	vperm.xlane v8, v0  }
0xa3: {  	v41 =	vsel vm10, v38, v40;
	vm15 =	vlt.s32 v5, v15;
	v7 =	vsel vm12, v7, v9  }
0xa4: {  	vm12 =	vlt.s32 v3, v42;
	v43 =	vperm.xlane v41, v1;
	v5 =	vsel vm15, v5, v15  }
0xa5: {  	v9 =	vperm.xlane v7, v0;
	v2 =	vsel vm12, v3, v42;
	v44 =	vperm.xlane v5, v1  }
0xa6: {  	v61 =	vperm.xlane v10, v0;
	v46 =	vperm.xlane v2, v1;
	vm13 =	vlt.s32 v41, v43  }
0xa7: {  	vm8 =	vlt.s32 v7, v9;
	v45 =	vsel vm13, v41, v43;
	vm14 =	vlt.s32 v5, v44  }
0xa8: {  	vm15 =	vlt.s32 v2, v46;
	vm13 =	vlt.s32 v6, v29;
	v13 =	vperm.xlane v45, v0  }
0xa9: {  	v50 =	vld [tilespmem:$0x80];
	v5 =	vsel vm14, v5, v44;
	v2 =	vsel vm15, v2, v46;
	vm14 =	vlt.s32 v11, v49  }
0xaa: {  	v52 =	vld [tilespmem:$0x90];
	v6 =	vsel vm13, v6, v29;
	v48 =	vperm.xlane v5, v0;
	v51 =	vperm.xlane v2, v0  }
0xab: {  	v53 =	vld [tilespmem:$0xA0];
	v1 =	vsel vm14, v11, v49;
	v55 =	vperm.xlane v6, v0;
	vm10 =	vlt.s32 v45, v13  }
0xac: {  	v54 =	vld [tilespmem:$0xB0];
	v56 =	vperm.xlane v1, v0;
	v3 =	vsel vm10, v45, v13;
	vm15 =	vlt.s32 v2, v51  }
0xad: {  	v57 =	vld [tilespmem:$0xC0];
	vm12 =	vlt.s32 v5, v48;
	vm13 =	vlt.s32 v6, v55;
	v2 =	vsel vm15, v2, v51  }
0xae: {  	v58 =	vld [tilespmem:$0xD0];
	v5 =	vsel vm12, v5, v48;
	vm12 =	vlt.s32 v8, v47;
	v2 =	vperm.xlane v50, v2  }
0xaf: {  	v59 =	vld [tilespmem:$0xE0];
	v3 =	vperm.xlane v52, v3;
	vm14 =	vlt.s32 v1, v56;
	v8 =	vsel vm12, v8, v47  }
0xb0: {  	v60 =	vld [tilespmem:$0xF0];
	v1 =	vsel vm14, v1, v56;
	v8 =	vperm.xlane v53, v8;
	v2 =	vnsel vm7, $0x0, v2  }
0xb1: {  	v6 =	vsel vm13, v6, v55;
	v1 =	vperm.xlane v54, v1;
	v2 =	vsel vm5, v2, v3  }
0xb2: {  	v62 =	vsel vm8, v7, v9;
	v6 =	vperm.xlane v57, v6;
	v2 =	vsel vm4, v2, v8  }
0xb3: {  	vm15 =	vlt.s32 v10, v61;
	v63 =	vperm.xlane v58, v5;
	v1 =	vsel vm1, v2, v1  }
0xb4: {  	v0 =	vsel vm15, v10, v61;
	v3 =	vperm.xlane v59, v62;
	v1 =	vsel vm2, v1, v6  }
0xb5: {  	v0 =	vperm.xlane v60, v0;
	v1 =	vsel vm0, v1, v63  }
0xb6: {  	v1 =	vsel vm3, v1, v3  }
0xb7: {  	v0 =	vsel vm6, v1, v0  }
0xb8: {  	[tilespmem:$0x100] =	vst v0  }
0xb9: {  	[hbm4b:s3+s2] =	stream.linear.scatter [tilespmem:s5], [sflag:$0x2], $0x8, $0x38;
	[tilespmem:$0x180] =	vst v63  }
0xba: {  	_ =	swait.ge [sflag:s4], $0x8  }
0xbb: {  	[sflag:s4] =	ssyncset.done $0x0  }
0xbc: {  	[sflag:s4] =	ssyncadd.s32 $0xFFFFFFF8  }
.LBB2_4:
0xbd: {  	_ =	sfence.sel $0x180000  }
0xbe: {  	[bflag:$0x0] =	sbarrier.arrive $0xFFFF  }
0xbf: {  	p0 =	sne.s32 s1, $0x0;
	_ =	strace $0x90000047  }
0xc0: {  	s0 =	sadd.s32 @!p0 $0x100000, s0;
	[bflag:$0x2] =	sbarrier.arrive $0xFFFF  }
0xc1: {  	[sflag:s0] =	ssyncadd.tile.s32 @!p0 $0x1;
	_ =	shalt  }
.Lfunc_end2:
_tile_overlayer_lowered:
.L_overlay_start_2:
0xc2: {  	(tag) =	ssettag $0x2  }
0xc3: {  	s0 =	rddreg [dreg:$0x0];
	s2 =	stileid.u32  }
0xc4: {  	s1 =	rddreg [dreg:$0x1];
	p0 =	sne.s32 s2, $0x0  }
0xc5: {  	s3 =	rddreg [dreg:$0x2];
	[bflag:$0x3] =	sbarrier.arrive $0xFFFF;
	s2 =	simm.s32 @!p0 $0x1C02  }
0xc6: {  	[timem:s3], [sflag:s2] =	dma.local @!p0 [hbm:s0], s1  }
0xc7: {  	s0 =	simm.s32 @!p0 $0x2  }
0xc8: {  	_ =	swait.ge @!p0 [sflag:s0], s1  }
0xc9: {  	s1 =	ssub.s32 @!p0 $0x0, s1;
	[sflag:s0] =	ssyncset.done @!p0 $0x0  }
0xca: {  	[sflag:s0] =	ssyncadd.s32 @!p0 s1  }
0xcb: {  	[bflag:$0x3] =	sbarrier.arrive $0xFFFF  }
0xcc: {  	_ =	shalt  }

</sc_bundles>
